<compile_context>
chip_gen: v7x
topology: tpu7x:2x2x1
jax: 0.10.2.dev20260603
libtpu: 0.0.44.dev20260713+nightly
codegen_flags: <defaults>
</compile_context>

<pallas_src>
import functools

import jax
import jax.numpy as jnp
from jax import lax
from jax.experimental import pallas as pl
from jax.experimental.pallas import tpu as pltpu
from jax.experimental.pallas import tpu_sc as plsc

K = 1024
D = 64
B = 16
HW = 1024
N = B * HW
COMMIT = 0.25

BPS = 4
STEPS = B // BPS

_SC_INFO = plsc.get_sparse_core_info()
NC = _SC_INFO.num_cores
NS = _SC_INFO.num_subcores
L = _SC_INFO.num_lanes
NW = NC * NS
RPW = N // NW
CH = 64
NCH = RPW // CH


def _vq_body(z_ref, e_ref, em2_ref, esq_ref, q_ref, idx_out_ref, loss_ref,
             perp_ref, loss_acc, cnt_acc):
    g = pl.program_id(0)
    e = e_ref[...]
    em2 = em2_ref[...]
    esq = esq_ref[...]

    @pl.when(g == 0)
    def _init():
        loss_acc[0] = 0.0
        cnt_acc[...] = jnp.zeros_like(cnt_acc)

    kiota = lax.broadcasted_iota(jnp.int32, (HW, K), 1)
    for s in range(BPS):
        z = z_ref[s]
        zsq = jnp.sum(z * z, axis=0)[:, None]
        dotm2 = lax.dot_general(z, em2, (((0,), (1,)), ((), ())),
                                preferred_element_type=jnp.float32)
        dist = (zsq + esq) + dotm2

        idx = jnp.argmin(dist, axis=1)
        idx_out_ref[0, 0, pl.ds(s * HW, HW)] = idx

        oh = (kiota == idx[:, None]).astype(jnp.float32)

        qcm = lax.dot_general(e, oh, (((0,), (1,)), ((), ())),
                              preferred_element_type=jnp.float32)
        q_ref[s] = qcm

        diff = qcm - z
        loss_acc[0] += jnp.sum(diff * diff)
        cnt_acc[...] += jnp.sum(oh, axis=0)[None, :]

    @pl.when(g == STEPS - 1)
    def _fin():
        loss_ref[0] = (COMMIT / (N * D)) * loss_acc[0]
        p = cnt_acc[0, :] * (1.0 / N)
        perp_ref[0] = jnp.exp(-jnp.sum(p * jnp.log(p + 1e-10)))


_SC_MESH = plsc.VectorSubcoreMesh(core_axis_name="c", subcore_axis_name="s")


@functools.partial(
    pl.kernel, mesh=_SC_MESH,
    out_type=jax.ShapeDtypeStruct((N, K), jnp.float32),
    compiler_params=pltpu.CompilerParams(use_tc_tiling_on_sc=False,
                                         needs_layout_passes=False),
)
def _sc_encodings(idx_hbm, zeros_hbm, enc_hbm):
    def body(idx_v, zbuf):
        wid = lax.axis_index("s") * NC + lax.axis_index("c")
        base = wid * RPW
        pltpu.sync_copy(idx_hbm.at[pl.ds(base, RPW)], idx_v)
        pltpu.sync_copy(zeros_hbm, zbuf)
        ones_v = jnp.full((L,), 1.0, jnp.float32)
        zeros_v = jnp.zeros((L,), jnp.float32)
        for c in range(NCH):
            for j in range(CH // L):
                r = lax.iota(jnp.int32, L) + j * L
                cols = idx_v[pl.ds(c * CH + j * L, L)]
                plsc.store_scatter(zbuf, [r, cols], ones_v)
            pltpu.sync_copy(zbuf, enc_hbm.at[pl.ds(base + c * CH, CH)])
            for j in range(CH // L):
                r = lax.iota(jnp.int32, L) + j * L
                cols = idx_v[pl.ds(c * CH + j * L, L)]
                plsc.store_scatter(zbuf, [r, cols], zeros_v)

    pl.run_scoped(
        body,
        pltpu.VMEM((RPW,), jnp.int32),
        pltpu.VMEM((CH, K), jnp.float32),
    )


def kernel(z_e, embedding):
    zb = z_e.reshape(B, D, HW)
    em2 = embedding * -2.0
    esq = jnp.sum(embedding ** 2, axis=1)[None, :]
    q, idx3, loss, perp = pl.pallas_call(
        _vq_body,
        grid=(STEPS,),
        in_specs=[
            pl.BlockSpec((BPS, D, HW), lambda b: (b, 0, 0)),
            pl.BlockSpec((K, D), lambda b: (0, 0)),
            pl.BlockSpec((K, D), lambda b: (0, 0)),
            pl.BlockSpec((1, K), lambda b: (0, 0)),
        ],
        out_specs=[
            pl.BlockSpec((BPS, D, HW), lambda b: (b, 0, 0)),
            pl.BlockSpec((1, 1, BPS * HW), lambda b: (b, 0, 0)),
            pl.BlockSpec(memory_space=pltpu.SMEM),
            pl.BlockSpec(memory_space=pltpu.SMEM),
        ],
        out_shape=[
            jax.ShapeDtypeStruct((B, D, HW), jnp.float32),
            jax.ShapeDtypeStruct((STEPS, 1, BPS * HW), jnp.int32),
            jax.ShapeDtypeStruct((1,), jnp.float32),
            jax.ShapeDtypeStruct((1,), jnp.float32),
        ],
        scratch_shapes=[
            pltpu.SMEM((1,), jnp.float32),
            pltpu.VMEM((1, K), jnp.float32),
        ],
    )(zb, embedding, em2, esq)
    idx_flat = idx3.reshape(N)
    enc = _sc_encodings(idx_flat, jnp.zeros((CH, K), jnp.float32))
    return (q.reshape(z_e.shape), loss[0], perp[0], enc)

# --- scband reference (transcript-rebuilt; emitter-appended) ---
"""Pipeline reference for scband-vector-quantizer-ema-77781857731260 (READ-ONLY COPY).

The authoritative reference and input builder live on the scoring server;
editing this copy changes nothing except your own understanding.
"""

import jax, jax.numpy as jnp
import numpy as np

NUM_EMBEDDINGS = 1024
EMBEDDING_DIM = 64
COMMITMENT_COST = 0.25


def setup_inputs(seed: int = 0) -> dict:
    key = jax.random.key(seed)
    k1, k2 = jax.random.split(key)
    z_e = jax.random.normal(k1, (16, EMBEDDING_DIM, 32, 32), dtype=jnp.float32)
    # embedding.weight initialized with normal_() in torch
    embedding = jax.random.normal(k2, (NUM_EMBEDDINGS, EMBEDDING_DIM), dtype=jnp.float32)
    return {"z_e": z_e, "embedding": embedding}


def reference(z_e, embedding):
    # eval-mode forward (EMA buffer updates are training-only, in-place, no-grad)
    B, C, H, W = z_e.shape
    z_nhwc = jnp.transpose(z_e, (0, 2, 3, 1))
    z_flat = z_nhwc.reshape(-1, C)
    # distances: ||z||^2 + ||e||^2 - 2 z e^T
    z_sq = jnp.sum(z_flat ** 2, axis=1, keepdims=True)
    e_sq = jnp.sum(embedding ** 2, axis=1)
    distances = z_sq + e_sq - 2.0 * jnp.matmul(z_flat, embedding.T)
    indices = jnp.argmin(distances, axis=1)
    encodings = jax.nn.one_hot(indices, NUM_EMBEDDINGS, dtype=z_flat.dtype)
    quantized = jnp.take(embedding, indices, axis=0).reshape(z_nhwc.shape)
    e_latent_loss = jnp.mean((jax.lax.stop_gradient(quantized) - z_nhwc) ** 2)
    loss = COMMITMENT_COST * e_latent_loss
    # straight-through estimator
    quantized = z_nhwc + jax.lax.stop_gradient(quantized - z_nhwc)
    avg_probs = jnp.mean(encodings, axis=0)
    perplexity = jnp.exp(-jnp.sum(avg_probs * jnp.log(avg_probs + 1e-10)))
    quantized = jnp.transpose(quantized, (0, 3, 1, 2))
    return (quantized, loss, perplexity, encodings)

if __name__ == "__main__":
    import jax
    _d = setup_inputs()
    print(jax.jit(kernel)(*tuple(_d.values())))

</pallas_src>

<mosaic_0001>
#map = affine_map<(d0, d1) -> (0)>
#map1 = affine_map<(d0, d1) -> (0, 0)>
module attributes {stable_mosaic.version = 14 : i64} {
  func.func @_sc_encodings(%arg0: i32, %arg1: i32, %arg2: memref<16384xi32, #tpu.memory_space<hbm>>, %arg3: memref<64x1024xf32, #tpu.memory_space<hbm>>, %arg4: memref<16384x1024xf32, #tpu.memory_space<hbm>>) attributes {dimension_semantics = [#tpu.dimension_semantics<core_parallel>, #tpu.dimension_semantics<subcore_parallel>], iteration_bounds = array<i64: 2, 16>, scalar_prefetch = 0 : i64, scratch_operands = 0 : i64, tpu.core_type = #tpu.core_type<sc_vector_subcore>, window_params = [{transform_indices = #map}, {transform_indices = #map1}, {transform_indices = #map1}]} {
    "tpu.region"() ({
      %run_scoped3A = memref.alloca() : memref<512xi32, #tpu.memory_space<vmem>>
      %run_scoped3A_0 = memref.alloca() : memref<64x1024xf32, #tpu.memory_space<vmem>>
      %mul3A = arith.constant 2 : i32
      %mul3A_1 = arith.muli %arg1, %mul3A : i32
      %add3A = arith.addi %mul3A_1, %arg0 : i32
      %mul3A_2 = arith.constant 512 : i32
      %mul3A_3 = arith.muli %add3A, %mul3A_2 : i32
      "tpu.region"() ({
        %run_scoped3A_405 = tpu.sem_alloc : memref<!tpu.dma_semaphore, #tpu.memory_space<semaphore_mem>>
        %dma_start3A = tpu.memref_slice %arg2[%mul3A_3] : memref<16384xi32, #tpu.memory_space<hbm>> -> memref<512xi32, #tpu.memory_space<hbm>>
        %dma_start3A_406 = tpu.memref_slice %arg2[%mul3A_3] : memref<16384xi32, #tpu.memory_space<hbm>> -> memref<512xi32, #tpu.memory_space<hbm>>
        tpu.enqueue_dma source(%dma_start3A_406 : memref<512xi32, #tpu.memory_space<hbm>>) target(%run_scoped3A : memref<512xi32, #tpu.memory_space<vmem>>) target_semaphore(%run_scoped3A_405 : memref<!tpu.dma_semaphore, #tpu.memory_space<semaphore_mem>>)
        %dma_wait3A = tpu.memref_slice %arg2[%mul3A_3] : memref<16384xi32, #tpu.memory_space<hbm>> -> memref<512xi32, #tpu.memory_space<hbm>>
        %dma_wait3A_407 = tpu.memref_slice %arg2[%mul3A_3] : memref<16384xi32, #tpu.memory_space<hbm>> -> memref<512xi32, #tpu.memory_space<hbm>>
        tpu.wait_dma2 semaphore(%run_scoped3A_405 : memref<!tpu.dma_semaphore, #tpu.memory_space<semaphore_mem>>) src(%dma_wait3A_407 : memref<512xi32, #tpu.memory_space<hbm>>) dst(%run_scoped3A : memref<512xi32, #tpu.memory_space<vmem>>)
        tpu.yield
      }) : () -> ()
      "tpu.region"() ({
        %run_scoped3A_405 = tpu.sem_alloc : memref<!tpu.dma_semaphore, #tpu.memory_space<semaphore_mem>>
        tpu.enqueue_dma source(%arg3 : memref<64x1024xf32, #tpu.memory_space<hbm>>) target(%run_scoped3A_0 : memref<64x1024xf32, #tpu.memory_space<vmem>>) target_semaphore(%run_scoped3A_405 : memref<!tpu.dma_semaphore, #tpu.memory_space<semaphore_mem>>)
        tpu.wait_dma2 semaphore(%run_scoped3A_405 : memref<!tpu.dma_semaphore, #tpu.memory_space<semaphore_mem>>) src(%arg3 : memref<64x1024xf32, #tpu.memory_space<hbm>>) dst(%run_scoped3A_0 : memref<64x1024xf32, #tpu.memory_space<vmem>>)
        tpu.yield
      }) : () -> ()
      %broadcast_in_dim3A = arith.constant 1.000000e+00 : f32
      %broadcast_in_dim3A_4 = vector.broadcast %broadcast_in_dim3A : f32 to vector<16xf32>
      %broadcast_in_dim3A_5 = arith.constant 0.000000e+00 : f32
      %broadcast_in_dim3A_6 = vector.broadcast %broadcast_in_dim3A_5 : f32 to vector<16xf32>
      %iota3A = tpu.iota {dimensions = array<i32: 0>} : vector<16xi32>
      %add3A_7 = arith.constant 0 : i32
      %add3A_8 = vector.broadcast %add3A_7 : i32 to vector<16xi32>
      %add3A_9 = arith.addi %iota3A, %add3A_8 : vector<16xi32>
      %get3A = arith.constant 0 : index
      %get3A_10 = tpu.vector_load %run_scoped3A[%get3A] {strides = array<i32>} : memref<512xi32, #tpu.memory_space<vmem>>, vector<16xi32>,
      tpu.vector_store_idx %run_scoped3A_0[%add3A_9, %get3A_10], %broadcast_in_dim3A_4 : memref<64x1024xf32, #tpu.memory_space<vmem>>[vector<16xi32>, vector<16xi32>], vector<16xf32>,
      %iota3A_11 = tpu.iota {dimensions = array<i32: 0>} : vector<16xi32>
      %add3A_12 = arith.constant 16 : i32
      %add3A_13 = vector.broadcast %add3A_12 : i32 to vector<16xi32>
      %add3A_14 = arith.addi %iota3A_11, %add3A_13 : vector<16xi32>
      %get3A_15 = arith.constant 16 : index
      %get3A_16 = tpu.vector_load %run_scoped3A[%get3A_15] {strides = array<i32>} : memref<512xi32, #tpu.memory_space<vmem>>, vector<16xi32>,
      tpu.vector_store_idx %run_scoped3A_0[%add3A_14, %get3A_16], %broadcast_in_dim3A_4 : memref<64x1024xf32, #tpu.memory_space<vmem>>[vector<16xi32>, vector<16xi32>], vector<16xf32>,
      %iota3A_17 = tpu.iota {dimensions = array<i32: 0>} : vector<16xi32>
      %add3A_18 = arith.constant 32 : i32
      %add3A_19 = vector.broadcast %add3A_18 : i32 to vector<16xi32>
      %add3A_20 = arith.addi %iota3A_17, %add3A_19 : vector<16xi32>
      %get3A_21 = arith.constant 32 : index
      %get3A_22 = tpu.vector_load %run_scoped3A[%get3A_21] {strides = array<i32>} : memref<512xi32, #tpu.memory_space<vmem>>, vector<16xi32>,
      tpu.vector_store_idx %run_scoped3A_0[%add3A_20, %get3A_22], %broadcast_in_dim3A_4 : memref<64x1024xf32, #tpu.memory_space<vmem>>[vector<16xi32>, vector<16xi32>], vector<16xf32>,
      %iota3A_23 = tpu.iota {dimensions = array<i32: 0>} : vector<16xi32>
      %add3A_24 = arith.constant 48 : i32
      %add3A_25 = vector.broadcast %add3A_24 : i32 to vector<16xi32>
      %add3A_26 = arith.addi %iota3A_23, %add3A_25 : vector<16xi32>
      %get3A_27 = arith.constant 48 : index
      %get3A_28 = tpu.vector_load %run_scoped3A[%get3A_27] {strides = array<i32>} : memref<512xi32, #tpu.memory_space<vmem>>, vector<16xi32>,
      tpu.vector_store_idx %run_scoped3A_0[%add3A_26, %get3A_28], %broadcast_in_dim3A_4 : memref<64x1024xf32, #tpu.memory_space<vmem>>[vector<16xi32>, vector<16xi32>], vector<16xf32>,
      %add3A_29 = arith.constant 0 : i32
      %add3A_30 = arith.addi %mul3A_3, %add3A_29 : i32
      "tpu.region"() ({
        %run_scoped3A_405 = tpu.sem_alloc : memref<!tpu.dma_semaphore, #tpu.memory_space<semaphore_mem>>
        %dma_start3A = arith.constant 0 : i32
        %dma_start3A_406 = tpu.memref_slice %arg4[%add3A_30, %dma_start3A] : memref<16384x1024xf32, #tpu.memory_space<hbm>> -> memref<64x1024xf32, #tpu.memory_space<hbm>>
        %dma_start3A_407 = arith.constant 0 : i32
        %dma_start3A_408 = tpu.memref_slice %arg4[%add3A_30, %dma_start3A_407] : memref<16384x1024xf32, #tpu.memory_space<hbm>> -> memref<64x1024xf32, #tpu.memory_space<hbm>>
        tpu.enqueue_dma source(%run_scoped3A_0 : memref<64x1024xf32, #tpu.memory_space<vmem>>) target(%dma_start3A_408 : memref<64x1024xf32, #tpu.memory_space<hbm>>) target_semaphore(%run_scoped3A_405 : memref<!tpu.dma_semaphore, #tpu.memory_space<semaphore_mem>>)
        %dma_wait3A = arith.constant 0 : i32
        %dma_wait3A_409 = tpu.memref_slice %arg4[%add3A_30, %dma_wait3A] : memref<16384x1024xf32, #tpu.memory_space<hbm>> -> memref<64x1024xf32, #tpu.memory_space<hbm>>
        %dma_wait3A_410 = arith.constant 0 : i32
        %dma_wait3A_411 = tpu.memref_slice %arg4[%add3A_30, %dma_wait3A_410] : memref<16384x1024xf32, #tpu.memory_space<hbm>> -> memref<64x1024xf32, #tpu.memory_space<hbm>>
        tpu.wait_dma2 semaphore(%run_scoped3A_405 : memref<!tpu.dma_semaphore, #tpu.memory_space<semaphore_mem>>) src(%run_scoped3A_0 : memref<64x1024xf32, #tpu.memory_space<vmem>>) dst(%dma_wait3A_411 : memref<64x1024xf32, #tpu.memory_space<hbm>>)
        tpu.yield
      }) : () -> ()
      %iota3A_31 = tpu.iota {dimensions = array<i32: 0>} : vector<16xi32>
      %add3A_32 = arith.constant 0 : i32
      %add3A_33 = vector.broadcast %add3A_32 : i32 to vector<16xi32>
      %add3A_34 = arith.addi %iota3A_31, %add3A_33 : vector<16xi32>
      %get3A_35 = arith.constant 0 : index
      %get3A_36 = tpu.vector_load %run_scoped3A[%get3A_35] {strides = array<i32>} : memref<512xi32, #tpu.memory_space<vmem>>, vector<16xi32>,
      tpu.vector_store_idx %run_scoped3A_0[%add3A_34, %get3A_36], %broadcast_in_dim3A_6 : memref<64x1024xf32, #tpu.memory_space<vmem>>[vector<16xi32>, vector<16xi32>], vector<16xf32>,
      %iota3A_37 = tpu.iota {dimensions = array<i32: 0>} : vector<16xi32>
      %add3A_38 = arith.constant 16 : i32
      %add3A_39 = vector.broadcast %add3A_38 : i32 to vector<16xi32>
      %add3A_40 = arith.addi %iota3A_37, %add3A_39 : vector<16xi32>
      %get3A_41 = arith.constant 16 : index
      %get3A_42 = tpu.vector_load %run_scoped3A[%get3A_41] {strides = array<i32>} : memref<512xi32, #tpu.memory_space<vmem>>, vector<16xi32>,
      tpu.vector_store_idx %run_scoped3A_0[%add3A_40, %get3A_42], %broadcast_in_dim3A_6 : memref<64x1024xf32, #tpu.memory_space<vmem>>[vector<16xi32>, vector<16xi32>], vector<16xf32>,
      %iota3A_43 = tpu.iota {dimensions = array<i32: 0>} : vector<16xi32>
      %add3A_44 = arith.constant 32 : i32
      %add3A_45 = vector.broadcast %add3A_44 : i32 to vector<16xi32>
      %add3A_46 = arith.addi %iota3A_43, %add3A_45 : vector<16xi32>
      %get3A_47 = arith.constant 32 : index
      %get3A_48 = tpu.vector_load %run_scoped3A[%get3A_47] {strides = array<i32>} : memref<512xi32, #tpu.memory_space<vmem>>, vector<16xi32>,
      tpu.vector_store_idx %run_scoped3A_0[%add3A_46, %get3A_48], %broadcast_in_dim3A_6 : memref<64x1024xf32, #tpu.memory_space<vmem>>[vector<16xi32>, vector<16xi32>], vector<16xf32>,
      %iota3A_49 = tpu.iota {dimensions = array<i32: 0>} : vector<16xi32>
      %add3A_50 = arith.constant 48 : i32
      %add3A_51 = vector.broadcast %add3A_50 : i32 to vector<16xi32>
      %add3A_52 = arith.addi %iota3A_49, %add3A_51 : vector<16xi32>
      %get3A_53 = arith.constant 48 : index
      %get3A_54 = tpu.vector_load %run_scoped3A[%get3A_53] {strides = array<i32>} : memref<512xi32, #tpu.memory_space<vmem>>, vector<16xi32>,
      tpu.vector_store_idx %run_scoped3A_0[%add3A_52, %get3A_54], %broadcast_in_dim3A_6 : memref<64x1024xf32, #tpu.memory_space<vmem>>[vector<16xi32>, vector<16xi32>], vector<16xf32>,
      %iota3A_55 = tpu.iota {dimensions = array<i32: 0>} : vector<16xi32>
      %add3A_56 = arith.constant 0 : i32
      %add3A_57 = vector.broadcast %add3A_56 : i32 to vector<16xi32>
      %add3A_58 = arith.addi %iota3A_55, %add3A_57 : vector<16xi32>
      %get3A_59 = arith.constant 64 : index
      %get3A_60 = tpu.vector_load %run_scoped3A[%get3A_59] {strides = array<i32>} : memref<512xi32, #tpu.memory_space<vmem>>, vector<16xi32>,
      tpu.vector_store_idx %run_scoped3A_0[%add3A_58, %get3A_60], %broadcast_in_dim3A_4 : memref<64x1024xf32, #tpu.memory_space<vmem>>[vector<16xi32>, vector<16xi32>], vector<16xf32>,
      %iota3A_61 = tpu.iota {dimensions = array<i32: 0>} : vector<16xi32>
      %add3A_62 = arith.constant 16 : i32
      %add3A_63 = vector.broadcast %add3A_62 : i32 to vector<16xi32>
      %add3A_64 = arith.addi %iota3A_61, %add3A_63 : vector<16xi32>
      %get3A_65 = arith.constant 80 : index
      %get3A_66 = tpu.vector_load %run_scoped3A[%get3A_65] {strides = array<i32>} : memref<512xi32, #tpu.memory_space<vmem>>, vector<16xi32>,
      tpu.vector_store_idx %run_scoped3A_0[%add3A_64, %get3A_66], %broadcast_in_dim3A_4 : memref<64x1024xf32, #tpu.memory_space<vmem>>[vector<16xi32>, vector<16xi32>], vector<16xf32>,
      %iota3A_67 = tpu.iota {dimensions = array<i32: 0>} : vector<16xi32>
      %add3A_68 = arith.constant 32 : i32
      %add3A_69 = vector.broadcast %add3A_68 : i32 to vector<16xi32>
      %add3A_70 = arith.addi %iota3A_67, %add3A_69 : vector<16xi32>
      %get3A_71 = arith.constant 96 : index
      %get3A_72 = tpu.vector_load %run_scoped3A[%get3A_71] {strides = array<i32>} : memref<512xi32, #tpu.memory_space<vmem>>, vector<16xi32>,
      tpu.vector_store_idx %run_scoped3A_0[%add3A_70, %get3A_72], %broadcast_in_dim3A_4 : memref<64x1024xf32, #tpu.memory_space<vmem>>[vector<16xi32>, vector<16xi32>], vector<16xf32>,
      %iota3A_73 = tpu.iota {dimensions = array<i32: 0>} : vector<16xi32>
      %add3A_74 = arith.constant 48 : i32
      %add3A_75 = vector.broadcast %add3A_74 : i32 to vector<16xi32>
      %add3A_76 = arith.addi %iota3A_73, %add3A_75 : vector<16xi32>
      %get3A_77 = arith.constant 112 : index
      %get3A_78 = tpu.vector_load %run_scoped3A[%get3A_77] {strides = array<i32>} : memref<512xi32, #tpu.memory_space<vmem>>, vector<16xi32>,
      tpu.vector_store_idx %run_scoped3A_0[%add3A_76, %get3A_78], %broadcast_in_dim3A_4 : memref<64x1024xf32, #tpu.memory_space<vmem>>[vector<16xi32>, vector<16xi32>], vector<16xf32>,
      %add3A_79 = arith.constant 64 : i32
      %add3A_80 = arith.addi %mul3A_3, %add3A_79 : i32
      "tpu.region"() ({
        %run_scoped3A_405 = tpu.sem_alloc : memref<!tpu.dma_semaphore, #tpu.memory_space<semaphore_mem>>
        %dma_start3A = arith.constant 0 : i32
        %dma_start3A_406 = tpu.memref_slice %arg4[%add3A_80, %dma_start3A] : memref<16384x1024xf32, #tpu.memory_space<hbm>> -> memref<64x1024xf32, #tpu.memory_space<hbm>>
        %dma_start3A_407 = arith.constant 0 : i32
        %dma_start3A_408 = tpu.memref_slice %arg4[%add3A_80, %dma_start3A_407] : memref<16384x1024xf32, #tpu.memory_space<hbm>> -> memref<64x1024xf32, #tpu.memory_space<hbm>>
        tpu.enqueue_dma source(%run_scoped3A_0 : memref<64x1024xf32, #tpu.memory_space<vmem>>) target(%dma_start3A_408 : memref<64x1024xf32, #tpu.memory_space<hbm>>) target_semaphore(%run_scoped3A_405 : memref<!tpu.dma_semaphore, #tpu.memory_space<semaphore_mem>>)
        %dma_wait3A = arith.constant 0 : i32
        %dma_wait3A_409 = tpu.memref_slice %arg4[%add3A_80, %dma_wait3A] : memref<16384x1024xf32, #tpu.memory_space<hbm>> -> memref<64x1024xf32, #tpu.memory_space<hbm>>
        %dma_wait3A_410 = arith.constant 0 : i32
        %dma_wait3A_411 = tpu.memref_slice %arg4[%add3A_80, %dma_wait3A_410] : memref<16384x1024xf32, #tpu.memory_space<hbm>> -> memref<64x1024xf32, #tpu.memory_space<hbm>>
        tpu.wait_dma2 semaphore(%run_scoped3A_405 : memref<!tpu.dma_semaphore, #tpu.memory_space<semaphore_mem>>) src(%run_scoped3A_0 : memref<64x1024xf32, #tpu.memory_space<vmem>>) dst(%dma_wait3A_411 : memref<64x1024xf32, #tpu.memory_space<hbm>>)
        tpu.yield
      }) : () -> ()
      %iota3A_81 = tpu.iota {dimensions = array<i32: 0>} : vector<16xi32>
      %add3A_82 = arith.constant 0 : i32
      %add3A_83 = vector.broadcast %add3A_82 : i32 to vector<16xi32>
      %add3A_84 = arith.addi %iota3A_81, %add3A_83 : vector<16xi32>
      %get3A_85 = arith.constant 64 : index
      %get3A_86 = tpu.vector_load %run_scoped3A[%get3A_85] {strides = array<i32>} : memref<512xi32, #tpu.memory_space<vmem>>, vector<16xi32>,
      tpu.vector_store_idx %run_scoped3A_0[%add3A_84, %get3A_86], %broadcast_in_dim3A_6 : memref<64x1024xf32, #tpu.memory_space<vmem>>[vector<16xi32>, vector<16xi32>], vector<16xf32>,
      %iota3A_87 = tpu.iota {dimensions = array<i32: 0>} : vector<16xi32>
      %add3A_88 = arith.constant 16 : i32
      %add3A_89 = vector.broadcast %add3A_88 : i32 to vector<16xi32>
      %add3A_90 = arith.addi %iota3A_87, %add3A_89 : vector<16xi32>
      %get3A_91 = arith.constant 80 : index
      %get3A_92 = tpu.vector_load %run_scoped3A[%get3A_91] {strides = array<i32>} : memref<512xi32, #tpu.memory_space<vmem>>, vector<16xi32>,
      tpu.vector_store_idx %run_scoped3A_0[%add3A_90, %get3A_92], %broadcast_in_dim3A_6 : memref<64x1024xf32, #tpu.memory_space<vmem>>[vector<16xi32>, vector<16xi32>], vector<16xf32>,
      %iota3A_93 = tpu.iota {dimensions = array<i32: 0>} : vector<16xi32>
      %add3A_94 = arith.constant 32 : i32
      %add3A_95 = vector.broadcast %add3A_94 : i32 to vector<16xi32>
      %add3A_96 = arith.addi %iota3A_93, %add3A_95 : vector<16xi32>
      %get3A_97 = arith.constant 96 : index
      %get3A_98 = tpu.vector_load %run_scoped3A[%get3A_97] {strides = array<i32>} : memref<512xi32, #tpu.memory_space<vmem>>, vector<16xi32>,
      tpu.vector_store_idx %run_scoped3A_0[%add3A_96, %get3A_98], %broadcast_in_dim3A_6 : memref<64x1024xf32, #tpu.memory_space<vmem>>[vector<16xi32>, vector<16xi32>], vector<16xf32>,
      %iota3A_99 = tpu.iota {dimensions = array<i32: 0>} : vector<16xi32>
      %add3A_100 = arith.constant 48 : i32
      %add3A_101 = vector.broadcast %add3A_100 : i32 to vector<16xi32>
      %add3A_102 = arith.addi %iota3A_99, %add3A_101 : vector<16xi32>
      %get3A_103 = arith.constant 112 : index
      %get3A_104 = tpu.vector_load %run_scoped3A[%get3A_103] {strides = array<i32>} : memref<512xi32, #tpu.memory_space<vmem>>, vector<16xi32>,
      tpu.vector_store_idx %run_scoped3A_0[%add3A_102, %get3A_104], %broadcast_in_dim3A_6 : memref<64x1024xf32, #tpu.memory_space<vmem>>[vector<16xi32>, vector<16xi32>], vector<16xf32>,
      %iota3A_105 = tpu.iota {dimensions = array<i32: 0>} : vector<16xi32>
      %add3A_106 = arith.constant 0 : i32
      %add3A_107 = vector.broadcast %add3A_106 : i32 to vector<16xi32>
      %add3A_108 = arith.addi %iota3A_105, %add3A_107 : vector<16xi32>
      %get3A_109 = arith.constant 128 : index
      %get3A_110 = tpu.vector_load %run_scoped3A[%get3A_109] {strides = array<i32>} : memref<512xi32, #tpu.memory_space<vmem>>, vector<16xi32>,
      tpu.vector_store_idx %run_scoped3A_0[%add3A_108, %get3A_110], %broadcast_in_dim3A_4 : memref<64x1024xf32, #tpu.memory_space<vmem>>[vector<16xi32>, vector<16xi32>], vector<16xf32>,
      %iota3A_111 = tpu.iota {dimensions = array<i32: 0>} : vector<16xi32>
      %add3A_112 = arith.constant 16 : i32
      %add3A_113 = vector.broadcast %add3A_112 : i32 to vector<16xi32>
      %add3A_114 = arith.addi %iota3A_111, %add3A_113 : vector<16xi32>
      %get3A_115 = arith.constant 144 : index
      %get3A_116 = tpu.vector_load %run_scoped3A[%get3A_115] {strides = array<i32>} : memref<512xi32, #tpu.memory_space<vmem>>, vector<16xi32>,
      tpu.vector_store_idx %run_scoped3A_0[%add3A_114, %get3A_116], %broadcast_in_dim3A_4 : memref<64x1024xf32, #tpu.memory_space<vmem>>[vector<16xi32>, vector<16xi32>], vector<16xf32>,
      %iota3A_117 = tpu.iota {dimensions = array<i32: 0>} : vector<16xi32>
      %add3A_118 = arith.constant 32 : i32
      %add3A_119 = vector.broadcast %add3A_118 : i32 to vector<16xi32>
      %add3A_120 = arith.addi %iota3A_117, %add3A_119 : vector<16xi32>
      %get3A_121 = arith.constant 160 : index
      %get3A_122 = tpu.vector_load %run_scoped3A[%get3A_121] {strides = array<i32>} : memref<512xi32, #tpu.memory_space<vmem>>, vector<16xi32>,
      tpu.vector_store_idx %run_scoped3A_0[%add3A_120, %get3A_122], %broadcast_in_dim3A_4 : memref<64x1024xf32, #tpu.memory_space<vmem>>[vector<16xi32>, vector<16xi32>], vector<16xf32>,
      %iota3A_123 = tpu.iota {dimensions = array<i32: 0>} : vector<16xi32>
      %add3A_124 = arith.constant 48 : i32
      %add3A_125 = vector.broadcast %add3A_124 : i32 to vector<16xi32>
      %add3A_126 = arith.addi %iota3A_123, %add3A_125 : vector<16xi32>
      %get3A_127 = arith.constant 176 : index
      %get3A_128 = tpu.vector_load %run_scoped3A[%get3A_127] {strides = array<i32>} : memref<512xi32, #tpu.memory_space<vmem>>, vector<16xi32>,
      tpu.vector_store_idx %run_scoped3A_0[%add3A_126, %get3A_128], %broadcast_in_dim3A_4 : memref<64x1024xf32, #tpu.memory_space<vmem>>[vector<16xi32>, vector<16xi32>], vector<16xf32>,
      %add3A_129 = arith.constant 128 : i32
      %add3A_130 = arith.addi %mul3A_3, %add3A_129 : i32
      "tpu.region"() ({
        %run_scoped3A_405 = tpu.sem_alloc : memref<!tpu.dma_semaphore, #tpu.memory_space<semaphore_mem>>
        %dma_start3A = arith.constant 0 : i32
        %dma_start3A_406 = tpu.memref_slice %arg4[%add3A_130, %dma_start3A] : memref<16384x1024xf32, #tpu.memory_space<hbm>> -> memref<64x1024xf32, #tpu.memory_space<hbm>>
        %dma_start3A_407 = arith.constant 0 : i32
        %dma_start3A_408 = tpu.memref_slice %arg4[%add3A_130, %dma_start3A_407] : memref<16384x1024xf32, #tpu.memory_space<hbm>> -> memref<64x1024xf32, #tpu.memory_space<hbm>>
        tpu.enqueue_dma source(%run_scoped3A_0 : memref<64x1024xf32, #tpu.memory_space<vmem>>) target(%dma_start3A_408 : memref<64x1024xf32, #tpu.memory_space<hbm>>) target_semaphore(%run_scoped3A_405 : memref<!tpu.dma_semaphore, #tpu.memory_space<semaphore_mem>>)
        %dma_wait3A = arith.constant 0 : i32
        %dma_wait3A_409 = tpu.memref_slice %arg4[%add3A_130, %dma_wait3A] : memref<16384x1024xf32, #tpu.memory_space<hbm>> -> memref<64x1024xf32, #tpu.memory_space<hbm>>
        %dma_wait3A_410 = arith.constant 0 : i32
        %dma_wait3A_411 = tpu.memref_slice %arg4[%add3A_130, %dma_wait3A_410] : memref<16384x1024xf32, #tpu.memory_space<hbm>> -> memref<64x1024xf32, #tpu.memory_space<hbm>>
        tpu.wait_dma2 semaphore(%run_scoped3A_405 : memref<!tpu.dma_semaphore, #tpu.memory_space<semaphore_mem>>) src(%run_scoped3A_0 : memref<64x1024xf32, #tpu.memory_space<vmem>>) dst(%dma_wait3A_411 : memref<64x1024xf32, #tpu.memory_space<hbm>>)
        tpu.yield
      }) : () -> ()
      %iota3A_131 = tpu.iota {dimensions = array<i32: 0>} : vector<16xi32>
      %add3A_132 = arith.constant 0 : i32
      %add3A_133 = vector.broadcast %add3A_132 : i32 to vector<16xi32>
      %add3A_134 = arith.addi %iota3A_131, %add3A_133 : vector<16xi32>
      %get3A_135 = arith.constant 128 : index
      %get3A_136 = tpu.vector_load %run_scoped3A[%get3A_135] {strides = array<i32>} : memref<512xi32, #tpu.memory_space<vmem>>, vector<16xi32>,
      tpu.vector_store_idx %run_scoped3A_0[%add3A_134, %get3A_136], %broadcast_in_dim3A_6 : memref<64x1024xf32, #tpu.memory_space<vmem>>[vector<16xi32>, vector<16xi32>], vector<16xf32>,
      %iota3A_137 = tpu.iota {dimensions = array<i32: 0>} : vector<16xi32>
      %add3A_138 = arith.constant 16 : i32
      %add3A_139 = vector.broadcast %add3A_138 : i32 to vector<16xi32>
      %add3A_140 = arith.addi %iota3A_137, %add3A_139 : vector<16xi32>
      %get3A_141 = arith.constant 144 : index
      %get3A_142 = tpu.vector_load %run_scoped3A[%get3A_141] {strides = array<i32>} : memref<512xi32, #tpu.memory_space<vmem>>, vector<16xi32>,
      tpu.vector_store_idx %run_scoped3A_0[%add3A_140, %get3A_142], %broadcast_in_dim3A_6 : memref<64x1024xf32, #tpu.memory_space<vmem>>[vector<16xi32>, vector<16xi32>], vector<16xf32>,
      %iota3A_143 = tpu.iota {dimensions = array<i32: 0>} : vector<16xi32>
      %add3A_144 = arith.constant 32 : i32
      %add3A_145 = vector.broadcast %add3A_144 : i32 to vector<16xi32>
      %add3A_146 = arith.addi %iota3A_143, %add3A_145 : vector<16xi32>
      %get3A_147 = arith.constant 160 : index
      %get3A_148 = tpu.vector_load %run_scoped3A[%get3A_147] {strides = array<i32>} : memref<512xi32, #tpu.memory_space<vmem>>, vector<16xi32>,
      tpu.vector_store_idx %run_scoped3A_0[%add3A_146, %get3A_148], %broadcast_in_dim3A_6 : memref<64x1024xf32, #tpu.memory_space<vmem>>[vector<16xi32>, vector<16xi32>], vector<16xf32>,
      %iota3A_149 = tpu.iota {dimensions = array<i32: 0>} : vector<16xi32>
      %add3A_150 = arith.constant 48 : i32
      %add3A_151 = vector.broadcast %add3A_150 : i32 to vector<16xi32>
      %add3A_152 = arith.addi %iota3A_149, %add3A_151 : vector<16xi32>
      %get3A_153 = arith.constant 176 : index
      %get3A_154 = tpu.vector_load %run_scoped3A[%get3A_153] {strides = array<i32>} : memref<512xi32, #tpu.memory_space<vmem>>, vector<16xi32>,
      tpu.vector_store_idx %run_scoped3A_0[%add3A_152, %get3A_154], %broadcast_in_dim3A_6 : memref<64x1024xf32, #tpu.memory_space<vmem>>[vector<16xi32>, vector<16xi32>], vector<16xf32>,
      %iota3A_155 = tpu.iota {dimensions = array<i32: 0>} : vector<16xi32>
      %add3A_156 = arith.constant 0 : i32
      %add3A_157 = vector.broadcast %add3A_156 : i32 to vector<16xi32>
      %add3A_158 = arith.addi %iota3A_155, %add3A_157 : vector<16xi32>
      %get3A_159 = arith.constant 192 : index
      %get3A_160 = tpu.vector_load %run_scoped3A[%get3A_159] {strides = array<i32>} : memref<512xi32, #tpu.memory_space<vmem>>, vector<16xi32>,
      tpu.vector_store_idx %run_scoped3A_0[%add3A_158, %get3A_160], %broadcast_in_dim3A_4 : memref<64x1024xf32, #tpu.memory_space<vmem>>[vector<16xi32>, vector<16xi32>], vector<16xf32>,
      %iota3A_161 = tpu.iota {dimensions = array<i32: 0>} : vector<16xi32>
      %add3A_162 = arith.constant 16 : i32
      %add3A_163 = vector.broadcast %add3A_162 : i32 to vector<16xi32>
      %add3A_164 = arith.addi %iota3A_161, %add3A_163 : vector<16xi32>
      %get3A_165 = arith.constant 208 : index
      %get3A_166 = tpu.vector_load %run_scoped3A[%get3A_165] {strides = array<i32>} : memref<512xi32, #tpu.memory_space<vmem>>, vector<16xi32>,
      tpu.vector_store_idx %run_scoped3A_0[%add3A_164, %get3A_166], %broadcast_in_dim3A_4 : memref<64x1024xf32, #tpu.memory_space<vmem>>[vector<16xi32>, vector<16xi32>], vector<16xf32>,
      %iota3A_167 = tpu.iota {dimensions = array<i32: 0>} : vector<16xi32>
      %add3A_168 = arith.constant 32 : i32
      %add3A_169 = vector.broadcast %add3A_168 : i32 to vector<16xi32>
      %add3A_170 = arith.addi %iota3A_167, %add3A_169 : vector<16xi32>
      %get3A_171 = arith.constant 224 : index
      %get3A_172 = tpu.vector_load %run_scoped3A[%get3A_171] {strides = array<i32>} : memref<512xi32, #tpu.memory_space<vmem>>, vector<16xi32>,
      tpu.vector_store_idx %run_scoped3A_0[%add3A_170, %get3A_172], %broadcast_in_dim3A_4 : memref<64x1024xf32, #tpu.memory_space<vmem>>[vector<16xi32>, vector<16xi32>], vector<16xf32>,
      %iota3A_173 = tpu.iota {dimensions = array<i32: 0>} : vector<16xi32>
      %add3A_174 = arith.constant 48 : i32
      %add3A_175 = vector.broadcast %add3A_174 : i32 to vector<16xi32>
      %add3A_176 = arith.addi %iota3A_173, %add3A_175 : vector<16xi32>
      %get3A_177 = arith.constant 240 : index
      %get3A_178 = tpu.vector_load %run_scoped3A[%get3A_177] {strides = array<i32>} : memref<512xi32, #tpu.memory_space<vmem>>, vector<16xi32>,
      tpu.vector_store_idx %run_scoped3A_0[%add3A_176, %get3A_178], %broadcast_in_dim3A_4 : memref<64x1024xf32, #tpu.memory_space<vmem>>[vector<16xi32>, vector<16xi32>], vector<16xf32>,
      %add3A_179 = arith.constant 192 : i32
      %add3A_180 = arith.addi %mul3A_3, %add3A_179 : i32
      "tpu.region"() ({
        %run_scoped3A_405 = tpu.sem_alloc : memref<!tpu.dma_semaphore, #tpu.memory_space<semaphore_mem>>
        %dma_start3A = arith.constant 0 : i32
        %dma_start3A_406 = tpu.memref_slice %arg4[%add3A_180, %dma_start3A] : memref<16384x1024xf32, #tpu.memory_space<hbm>> -> memref<64x1024xf32, #tpu.memory_space<hbm>>
        %dma_start3A_407 = arith.constant 0 : i32
        %dma_start3A_408 = tpu.memref_slice %arg4[%add3A_180, %dma_start3A_407] : memref<16384x1024xf32, #tpu.memory_space<hbm>> -> memref<64x1024xf32, #tpu.memory_space<hbm>>
        tpu.enqueue_dma source(%run_scoped3A_0 : memref<64x1024xf32, #tpu.memory_space<vmem>>) target(%dma_start3A_408 : memref<64x1024xf32, #tpu.memory_space<hbm>>) target_semaphore(%run_scoped3A_405 : memref<!tpu.dma_semaphore, #tpu.memory_space<semaphore_mem>>)
        %dma_wait3A = arith.constant 0 : i32
        %dma_wait3A_409 = tpu.memref_slice %arg4[%add3A_180, %dma_wait3A] : memref<16384x1024xf32, #tpu.memory_space<hbm>> -> memref<64x1024xf32, #tpu.memory_space<hbm>>
        %dma_wait3A_410 = arith.constant 0 : i32
        %dma_wait3A_411 = tpu.memref_slice %arg4[%add3A_180, %dma_wait3A_410] : memref<16384x1024xf32, #tpu.memory_space<hbm>> -> memref<64x1024xf32, #tpu.memory_space<hbm>>
        tpu.wait_dma2 semaphore(%run_scoped3A_405 : memref<!tpu.dma_semaphore, #tpu.memory_space<semaphore_mem>>) src(%run_scoped3A_0 : memref<64x1024xf32, #tpu.memory_space<vmem>>) dst(%dma_wait3A_411 : memref<64x1024xf32, #tpu.memory_space<hbm>>)
        tpu.yield
      }) : () -> ()
      %iota3A_181 = tpu.iota {dimensions = array<i32: 0>} : vector<16xi32>
      %add3A_182 = arith.constant 0 : i32
      %add3A_183 = vector.broadcast %add3A_182 : i32 to vector<16xi32>
      %add3A_184 = arith.addi %iota3A_181, %add3A_183 : vector<16xi32>
      %get3A_185 = arith.constant 192 : index
      %get3A_186 = tpu.vector_load %run_scoped3A[%get3A_185] {strides = array<i32>} : memref<512xi32, #tpu.memory_space<vmem>>, vector<16xi32>,
      tpu.vector_store_idx %run_scoped3A_0[%add3A_184, %get3A_186], %broadcast_in_dim3A_6 : memref<64x1024xf32, #tpu.memory_space<vmem>>[vector<16xi32>, vector<16xi32>], vector<16xf32>,
      %iota3A_187 = tpu.iota {dimensions = array<i32: 0>} : vector<16xi32>
      %add3A_188 = arith.constant 16 : i32
      %add3A_189 = vector.broadcast %add3A_188 : i32 to vector<16xi32>
      %add3A_190 = arith.addi %iota3A_187, %add3A_189 : vector<16xi32>
      %get3A_191 = arith.constant 208 : index
      %get3A_192 = tpu.vector_load %run_scoped3A[%get3A_191] {strides = array<i32>} : memref<512xi32, #tpu.memory_space<vmem>>, vector<16xi32>,
      tpu.vector_store_idx %run_scoped3A_0[%add3A_190, %get3A_192], %broadcast_in_dim3A_6 : memref<64x1024xf32, #tpu.memory_space<vmem>>[vector<16xi32>, vector<16xi32>], vector<16xf32>,
      %iota3A_193 = tpu.iota {dimensions = array<i32: 0>} : vector<16xi32>
      %add3A_194 = arith.constant 32 : i32
      %add3A_195 = vector.broadcast %add3A_194 : i32 to vector<16xi32>
      %add3A_196 = arith.addi %iota3A_193, %add3A_195 : vector<16xi32>
      %get3A_197 = arith.constant 224 : index
      %get3A_198 = tpu.vector_load %run_scoped3A[%get3A_197] {strides = array<i32>} : memref<512xi32, #tpu.memory_space<vmem>>, vector<16xi32>,
      tpu.vector_store_idx %run_scoped3A_0[%add3A_196, %get3A_198], %broadcast_in_dim3A_6 : memref<64x1024xf32, #tpu.memory_space<vmem>>[vector<16xi32>, vector<16xi32>], vector<16xf32>,
      %iota3A_199 = tpu.iota {dimensions = array<i32: 0>} : vector<16xi32>
      %add3A_200 = arith.constant 48 : i32
      %add3A_201 = vector.broadcast %add3A_200 : i32 to vector<16xi32>
      %add3A_202 = arith.addi %iota3A_199, %add3A_201 : vector<16xi32>
      %get3A_203 = arith.constant 240 : index
      %get3A_204 = tpu.vector_load %run_scoped3A[%get3A_203] {strides = array<i32>} : memref<512xi32, #tpu.memory_space<vmem>>, vector<16xi32>,
      tpu.vector_store_idx %run_scoped3A_0[%add3A_202, %get3A_204], %broadcast_in_dim3A_6 : memref<64x1024xf32, #tpu.memory_space<vmem>>[vector<16xi32>, vector<16xi32>], vector<16xf32>,
      %iota3A_205 = tpu.iota {dimensions = array<i32: 0>} : vector<16xi32>
      %add3A_206 = arith.constant 0 : i32
      %add3A_207 = vector.broadcast %add3A_206 : i32 to vector<16xi32>
      %add3A_208 = arith.addi %iota3A_205, %add3A_207 : vector<16xi32>
      %get3A_209 = arith.constant 256 : index
      %get3A_210 = tpu.vector_load %run_scoped3A[%get3A_209] {strides = array<i32>} : memref<512xi32, #tpu.memory_space<vmem>>, vector<16xi32>,
      tpu.vector_store_idx %run_scoped3A_0[%add3A_208, %get3A_210], %broadcast_in_dim3A_4 : memref<64x1024xf32, #tpu.memory_space<vmem>>[vector<16xi32>, vector<16xi32>], vector<16xf32>,
      %iota3A_211 = tpu.iota {dimensions = array<i32: 0>} : vector<16xi32>
      %add3A_212 = arith.constant 16 : i32
      %add3A_213 = vector.broadcast %add3A_212 : i32 to vector<16xi32>
      %add3A_214 = arith.addi %iota3A_211, %add3A_213 : vector<16xi32>
      %get3A_215 = arith.constant 272 : index
      %get3A_216 = tpu.vector_load %run_scoped3A[%get3A_215] {strides = array<i32>} : memref<512xi32, #tpu.memory_space<vmem>>, vector<16xi32>,
      tpu.vector_store_idx %run_scoped3A_0[%add3A_214, %get3A_216], %broadcast_in_dim3A_4 : memref<64x1024xf32, #tpu.memory_space<vmem>>[vector<16xi32>, vector<16xi32>], vector<16xf32>,
      %iota3A_217 = tpu.iota {dimensions = array<i32: 0>} : vector<16xi32>
      %add3A_218 = arith.constant 32 : i32
      %add3A_219 = vector.broadcast %add3A_218 : i32 to vector<16xi32>
      %add3A_220 = arith.addi %iota3A_217, %add3A_219 : vector<16xi32>
      %get3A_221 = arith.constant 288 : index
      %get3A_222 = tpu.vector_load %run_scoped3A[%get3A_221] {strides = array<i32>} : memref<512xi32, #tpu.memory_space<vmem>>, vector<16xi32>,
      tpu.vector_store_idx %run_scoped3A_0[%add3A_220, %get3A_222], %broadcast_in_dim3A_4 : memref<64x1024xf32, #tpu.memory_space<vmem>>[vector<16xi32>, vector<16xi32>], vector<16xf32>,
      %iota3A_223 = tpu.iota {dimensions = array<i32: 0>} : vector<16xi32>
      %add3A_224 = arith.constant 48 : i32
      %add3A_225 = vector.broadcast %add3A_224 : i32 to vector<16xi32>
      %add3A_226 = arith.addi %iota3A_223, %add3A_225 : vector<16xi32>
      %get3A_227 = arith.constant 304 : index
      %get3A_228 = tpu.vector_load %run_scoped3A[%get3A_227] {strides = array<i32>} : memref<512xi32, #tpu.memory_space<vmem>>, vector<16xi32>,
      tpu.vector_store_idx %run_scoped3A_0[%add3A_226, %get3A_228], %broadcast_in_dim3A_4 : memref<64x1024xf32, #tpu.memory_space<vmem>>[vector<16xi32>, vector<16xi32>], vector<16xf32>,
      %add3A_229 = arith.constant 256 : i32
      %add3A_230 = arith.addi %mul3A_3, %add3A_229 : i32
      "tpu.region"() ({
        %run_scoped3A_405 = tpu.sem_alloc : memref<!tpu.dma_semaphore, #tpu.memory_space<semaphore_mem>>
        %dma_start3A = arith.constant 0 : i32
        %dma_start3A_406 = tpu.memref_slice %arg4[%add3A_230, %dma_start3A] : memref<16384x1024xf32, #tpu.memory_space<hbm>> -> memref<64x1024xf32, #tpu.memory_space<hbm>>
        %dma_start3A_407 = arith.constant 0 : i32
        %dma_start3A_408 = tpu.memref_slice %arg4[%add3A_230, %dma_start3A_407] : memref<16384x1024xf32, #tpu.memory_space<hbm>> -> memref<64x1024xf32, #tpu.memory_space<hbm>>
        tpu.enqueue_dma source(%run_scoped3A_0 : memref<64x1024xf32, #tpu.memory_space<vmem>>) target(%dma_start3A_408 : memref<64x1024xf32, #tpu.memory_space<hbm>>) target_semaphore(%run_scoped3A_405 : memref<!tpu.dma_semaphore, #tpu.memory_space<semaphore_mem>>)
        %dma_wait3A = arith.constant 0 : i32
        %dma_wait3A_409 = tpu.memref_slice %arg4[%add3A_230, %dma_wait3A] : memref<16384x1024xf32, #tpu.memory_space<hbm>> -> memref<64x1024xf32, #tpu.memory_space<hbm>>
        %dma_wait3A_410 = arith.constant 0 : i32
        %dma_wait3A_411 = tpu.memref_slice %arg4[%add3A_230, %dma_wait3A_410] : memref<16384x1024xf32, #tpu.memory_space<hbm>> -> memref<64x1024xf32, #tpu.memory_space<hbm>>
        tpu.wait_dma2 semaphore(%run_scoped3A_405 : memref<!tpu.dma_semaphore, #tpu.memory_space<semaphore_mem>>) src(%run_scoped3A_0 : memref<64x1024xf32, #tpu.memory_space<vmem>>) dst(%dma_wait3A_411 : memref<64x1024xf32, #tpu.memory_space<hbm>>)
        tpu.yield
      }) : () -> ()
      %iota3A_231 = tpu.iota {dimensions = array<i32: 0>} : vector<16xi32>
      %add3A_232 = arith.constant 0 : i32
      %add3A_233 = vector.broadcast %add3A_232 : i32 to vector<16xi32>
      %add3A_234 = arith.addi %iota3A_231, %add3A_233 : vector<16xi32>
      %get3A_235 = arith.constant 256 : index
      %get3A_236 = tpu.vector_load %run_scoped3A[%get3A_235] {strides = array<i32>} : memref<512xi32, #tpu.memory_space<vmem>>, vector<16xi32>,
      tpu.vector_store_idx %run_scoped3A_0[%add3A_234, %get3A_236], %broadcast_in_dim3A_6 : memref<64x1024xf32, #tpu.memory_space<vmem>>[vector<16xi32>, vector<16xi32>], vector<16xf32>,
      %iota3A_237 = tpu.iota {dimensions = array<i32: 0>} : vector<16xi32>
      %add3A_238 = arith.constant 16 : i32
      %add3A_239 = vector.broadcast %add3A_238 : i32 to vector<16xi32>
      %add3A_240 = arith.addi %iota3A_237, %add3A_239 : vector<16xi32>
      %get3A_241 = arith.constant 272 : index
      %get3A_242 = tpu.vector_load %run_scoped3A[%get3A_241] {strides = array<i32>} : memref<512xi32, #tpu.memory_space<vmem>>, vector<16xi32>,
      tpu.vector_store_idx %run_scoped3A_0[%add3A_240, %get3A_242], %broadcast_in_dim3A_6 : memref<64x1024xf32, #tpu.memory_space<vmem>>[vector<16xi32>, vector<16xi32>], vector<16xf32>,
      %iota3A_243 = tpu.iota {dimensions = array<i32: 0>} : vector<16xi32>
      %add3A_244 = arith.constant 32 : i32
      %add3A_245 = vector.broadcast %add3A_244 : i32 to vector<16xi32>
      %add3A_246 = arith.addi %iota3A_243, %add3A_245 : vector<16xi32>
      %get3A_247 = arith.constant 288 : index
      %get3A_248 = tpu.vector_load %run_scoped3A[%get3A_247] {strides = array<i32>} : memref<512xi32, #tpu.memory_space<vmem>>, vector<16xi32>,
      tpu.vector_store_idx %run_scoped3A_0[%add3A_246, %get3A_248], %broadcast_in_dim3A_6 : memref<64x1024xf32, #tpu.memory_space<vmem>>[vector<16xi32>, vector<16xi32>], vector<16xf32>,
      %iota3A_249 = tpu.iota {dimensions = array<i32: 0>} : vector<16xi32>
      %add3A_250 = arith.constant 48 : i32
      %add3A_251 = vector.broadcast %add3A_250 : i32 to vector<16xi32>
      %add3A_252 = arith.addi %iota3A_249, %add3A_251 : vector<16xi32>
      %get3A_253 = arith.constant 304 : index
      %get3A_254 = tpu.vector_load %run_scoped3A[%get3A_253] {strides = array<i32>} : memref<512xi32, #tpu.memory_space<vmem>>, vector<16xi32>,
      tpu.vector_store_idx %run_scoped3A_0[%add3A_252, %get3A_254], %broadcast_in_dim3A_6 : memref<64x1024xf32, #tpu.memory_space<vmem>>[vector<16xi32>, vector<16xi32>], vector<16xf32>,
      %iota3A_255 = tpu.iota {dimensions = array<i32: 0>} : vector<16xi32>
      %add3A_256 = arith.constant 0 : i32
      %add3A_257 = vector.broadcast %add3A_256 : i32 to vector<16xi32>
      %add3A_258 = arith.addi %iota3A_255, %add3A_257 : vector<16xi32>
      %get3A_259 = arith.constant 320 : index
      %get3A_260 = tpu.vector_load %run_scoped3A[%get3A_259] {strides = array<i32>} : memref<512xi32, #tpu.memory_space<vmem>>, vector<16xi32>,
      tpu.vector_store_idx %run_scoped3A_0[%add3A_258, %get3A_260], %broadcast_in_dim3A_4 : memref<64x1024xf32, #tpu.memory_space<vmem>>[vector<16xi32>, vector<16xi32>], vector<16xf32>,
      %iota3A_261 = tpu.iota {dimensions = array<i32: 0>} : vector<16xi32>
      %add3A_262 = arith.constant 16 : i32
      %add3A_263 = vector.broadcast %add3A_262 : i32 to vector<16xi32>
      %add3A_264 = arith.addi %iota3A_261, %add3A_263 : vector<16xi32>
      %get3A_265 = arith.constant 336 : index
      %get3A_266 = tpu.vector_load %run_scoped3A[%get3A_265] {strides = array<i32>} : memref<512xi32, #tpu.memory_space<vmem>>, vector<16xi32>,
      tpu.vector_store_idx %run_scoped3A_0[%add3A_264, %get3A_266], %broadcast_in_dim3A_4 : memref<64x1024xf32, #tpu.memory_space<vmem>>[vector<16xi32>, vector<16xi32>], vector<16xf32>,
      %iota3A_267 = tpu.iota {dimensions = array<i32: 0>} : vector<16xi32>
      %add3A_268 = arith.constant 32 : i32
      %add3A_269 = vector.broadcast %add3A_268 : i32 to vector<16xi32>
      %add3A_270 = arith.addi %iota3A_267, %add3A_269 : vector<16xi32>
      %get3A_271 = arith.constant 352 : index
      %get3A_272 = tpu.vector_load %run_scoped3A[%get3A_271] {strides = array<i32>} : memref<512xi32, #tpu.memory_space<vmem>>, vector<16xi32>,
      tpu.vector_store_idx %run_scoped3A_0[%add3A_270, %get3A_272], %broadcast_in_dim3A_4 : memref<64x1024xf32, #tpu.memory_space<vmem>>[vector<16xi32>, vector<16xi32>], vector<16xf32>,
      %iota3A_273 = tpu.iota {dimensions = array<i32: 0>} : vector<16xi32>
      %add3A_274 = arith.constant 48 : i32
      %add3A_275 = vector.broadcast %add3A_274 : i32 to vector<16xi32>
      %add3A_276 = arith.addi %iota3A_273, %add3A_275 : vector<16xi32>
      %get3A_277 = arith.constant 368 : index
      %get3A_278 = tpu.vector_load %run_scoped3A[%get3A_277] {strides = array<i32>} : memref<512xi32, #tpu.memory_space<vmem>>, vector<16xi32>,
      tpu.vector_store_idx %run_scoped3A_0[%add3A_276, %get3A_278], %broadcast_in_dim3A_4 : memref<64x1024xf32, #tpu.memory_space<vmem>>[vector<16xi32>, vector<16xi32>], vector<16xf32>,
      %add3A_279 = arith.constant 320 : i32
      %add3A_280 = arith.addi %mul3A_3, %add3A_279 : i32
      "tpu.region"() ({
        %run_scoped3A_405 = tpu.sem_alloc : memref<!tpu.dma_semaphore, #tpu.memory_space<semaphore_mem>>
        %dma_start3A = arith.constant 0 : i32
        %dma_start3A_406 = tpu.memref_slice %arg4[%add3A_280, %dma_start3A] : memref<16384x1024xf32, #tpu.memory_space<hbm>> -> memref<64x1024xf32, #tpu.memory_space<hbm>>
        %dma_start3A_407 = arith.constant 0 : i32
        %dma_start3A_408 = tpu.memref_slice %arg4[%add3A_280, %dma_start3A_407] : memref<16384x1024xf32, #tpu.memory_space<hbm>> -> memref<64x1024xf32, #tpu.memory_space<hbm>>
        tpu.enqueue_dma source(%run_scoped3A_0 : memref<64x1024xf32, #tpu.memory_space<vmem>>) target(%dma_start3A_408 : memref<64x1024xf32, #tpu.memory_space<hbm>>) target_semaphore(%run_scoped3A_405 : memref<!tpu.dma_semaphore, #tpu.memory_space<semaphore_mem>>)
        %dma_wait3A = arith.constant 0 : i32
        %dma_wait3A_409 = tpu.memref_slice %arg4[%add3A_280, %dma_wait3A] : memref<16384x1024xf32, #tpu.memory_space<hbm>> -> memref<64x1024xf32, #tpu.memory_space<hbm>>
        %dma_wait3A_410 = arith.constant 0 : i32
        %dma_wait3A_411 = tpu.memref_slice %arg4[%add3A_280, %dma_wait3A_410] : memref<16384x1024xf32, #tpu.memory_space<hbm>> -> memref<64x1024xf32, #tpu.memory_space<hbm>>
        tpu.wait_dma2 semaphore(%run_scoped3A_405 : memref<!tpu.dma_semaphore, #tpu.memory_space<semaphore_mem>>) src(%run_scoped3A_0 : memref<64x1024xf32, #tpu.memory_space<vmem>>) dst(%dma_wait3A_411 : memref<64x1024xf32, #tpu.memory_space<hbm>>)
        tpu.yield
      }) : () -> ()
      %iota3A_281 = tpu.iota {dimensions = array<i32: 0>} : vector<16xi32>
      %add3A_282 = arith.constant 0 : i32
      %add3A_283 = vector.broadcast %add3A_282 : i32 to vector<16xi32>
      %add3A_284 = arith.addi %iota3A_281, %add3A_283 : vector<16xi32>
      %get3A_285 = arith.constant 320 : index
      %get3A_286 = tpu.vector_load %run_scoped3A[%get3A_285] {strides = array<i32>} : memref<512xi32, #tpu.memory_space<vmem>>, vector<16xi32>,
      tpu.vector_store_idx %run_scoped3A_0[%add3A_284, %get3A_286], %broadcast_in_dim3A_6 : memref<64x1024xf32, #tpu.memory_space<vmem>>[vector<16xi32>, vector<16xi32>], vector<16xf32>,
      %iota3A_287 = tpu.iota {dimensions = array<i32: 0>} : vector<16xi32>
      %add3A_288 = arith.constant 16 : i32
      %add3A_289 = vector.broadcast %add3A_288 : i32 to vector<16xi32>
      %add3A_290 = arith.addi %iota3A_287, %add3A_289 : vector<16xi32>
      %get3A_291 = arith.constant 336 : index
      %get3A_292 = tpu.vector_load %run_scoped3A[%get3A_291] {strides = array<i32>} : memref<512xi32, #tpu.memory_space<vmem>>, vector<16xi32>,
      tpu.vector_store_idx %run_scoped3A_0[%add3A_290, %get3A_292], %broadcast_in_dim3A_6 : memref<64x1024xf32, #tpu.memory_space<vmem>>[vector<16xi32>, vector<16xi32>], vector<16xf32>,
      %iota3A_293 = tpu.iota {dimensions = array<i32: 0>} : vector<16xi32>
      %add3A_294 = arith.constant 32 : i32
      %add3A_295 = vector.broadcast %add3A_294 : i32 to vector<16xi32>
      %add3A_296 = arith.addi %iota3A_293, %add3A_295 : vector<16xi32>
      %get3A_297 = arith.constant 352 : index
      %get3A_298 = tpu.vector_load %run_scoped3A[%get3A_297] {strides = array<i32>} : memref<512xi32, #tpu.memory_space<vmem>>, vector<16xi32>,
      tpu.vector_store_idx %run_scoped3A_0[%add3A_296, %get3A_298], %broadcast_in_dim3A_6 : memref<64x1024xf32, #tpu.memory_space<vmem>>[vector<16xi32>, vector<16xi32>], vector<16xf32>,
      %iota3A_299 = tpu.iota {dimensions = array<i32: 0>} : vector<16xi32>
      %add3A_300 = arith.constant 48 : i32
      %add3A_301 = vector.broadcast %add3A_300 : i32 to vector<16xi32>
      %add3A_302 = arith.addi %iota3A_299, %add3A_301 : vector<16xi32>
      %get3A_303 = arith.constant 368 : index
      %get3A_304 = tpu.vector_load %run_scoped3A[%get3A_303] {strides = array<i32>} : memref<512xi32, #tpu.memory_space<vmem>>, vector<16xi32>,
      tpu.vector_store_idx %run_scoped3A_0[%add3A_302, %get3A_304], %broadcast_in_dim3A_6 : memref<64x1024xf32, #tpu.memory_space<vmem>>[vector<16xi32>, vector<16xi32>], vector<16xf32>,
      %iota3A_305 = tpu.iota {dimensions = array<i32: 0>} : vector<16xi32>
      %add3A_306 = arith.constant 0 : i32
      %add3A_307 = vector.broadcast %add3A_306 : i32 to vector<16xi32>
      %add3A_308 = arith.addi %iota3A_305, %add3A_307 : vector<16xi32>
      %get3A_309 = arith.constant 384 : index
      %get3A_310 = tpu.vector_load %run_scoped3A[%get3A_309] {strides = array<i32>} : memref<512xi32, #tpu.memory_space<vmem>>, vector<16xi32>,
      tpu.vector_store_idx %run_scoped3A_0[%add3A_308, %get3A_310], %broadcast_in_dim3A_4 : memref<64x1024xf32, #tpu.memory_space<vmem>>[vector<16xi32>, vector<16xi32>], vector<16xf32>,
      %iota3A_311 = tpu.iota {dimensions = array<i32: 0>} : vector<16xi32>
      %add3A_312 = arith.constant 16 : i32
      %add3A_313 = vector.broadcast %add3A_312 : i32 to vector<16xi32>
      %add3A_314 = arith.addi %iota3A_311, %add3A_313 : vector<16xi32>
      %get3A_315 = arith.constant 400 : index
      %get3A_316 = tpu.vector_load %run_scoped3A[%get3A_315] {strides = array<i32>} : memref<512xi32, #tpu.memory_space<vmem>>, vector<16xi32>,
      tpu.vector_store_idx %run_scoped3A_0[%add3A_314, %get3A_316], %broadcast_in_dim3A_4 : memref<64x1024xf32, #tpu.memory_space<vmem>>[vector<16xi32>, vector<16xi32>], vector<16xf32>,
      %iota3A_317 = tpu.iota {dimensions = array<i32: 0>} : vector<16xi32>
      %add3A_318 = arith.constant 32 : i32
      %add3A_319 = vector.broadcast %add3A_318 : i32 to vector<16xi32>
      %add3A_320 = arith.addi %iota3A_317, %add3A_319 : vector<16xi32>
      %get3A_321 = arith.constant 416 : index
      %get3A_322 = tpu.vector_load %run_scoped3A[%get3A_321] {strides = array<i32>} : memref<512xi32, #tpu.memory_space<vmem>>, vector<16xi32>,
      tpu.vector_store_idx %run_scoped3A_0[%add3A_320, %get3A_322], %broadcast_in_dim3A_4 : memref<64x1024xf32, #tpu.memory_space<vmem>>[vector<16xi32>, vector<16xi32>], vector<16xf32>,
      %iota3A_323 = tpu.iota {dimensions = array<i32: 0>} : vector<16xi32>
      %add3A_324 = arith.constant 48 : i32
      %add3A_325 = vector.broadcast %add3A_324 : i32 to vector<16xi32>
      %add3A_326 = arith.addi %iota3A_323, %add3A_325 : vector<16xi32>
      %get3A_327 = arith.constant 432 : index
      %get3A_328 = tpu.vector_load %run_scoped3A[%get3A_327] {strides = array<i32>} : memref<512xi32, #tpu.memory_space<vmem>>, vector<16xi32>,
      tpu.vector_store_idx %run_scoped3A_0[%add3A_326, %get3A_328], %broadcast_in_dim3A_4 : memref<64x1024xf32, #tpu.memory_space<vmem>>[vector<16xi32>, vector<16xi32>], vector<16xf32>,
      %add3A_329 = arith.constant 384 : i32
      %add3A_330 = arith.addi %mul3A_3, %add3A_329 : i32
      "tpu.region"() ({
        %run_scoped3A_405 = tpu.sem_alloc : memref<!tpu.dma_semaphore, #tpu.memory_space<semaphore_mem>>
        %dma_start3A = arith.constant 0 : i32
        %dma_start3A_406 = tpu.memref_slice %arg4[%add3A_330, %dma_start3A] : memref<16384x1024xf32, #tpu.memory_space<hbm>> -> memref<64x1024xf32, #tpu.memory_space<hbm>>
        %dma_start3A_407 = arith.constant 0 : i32
        %dma_start3A_408 = tpu.memref_slice %arg4[%add3A_330, %dma_start3A_407] : memref<16384x1024xf32, #tpu.memory_space<hbm>> -> memref<64x1024xf32, #tpu.memory_space<hbm>>
        tpu.enqueue_dma source(%run_scoped3A_0 : memref<64x1024xf32, #tpu.memory_space<vmem>>) target(%dma_start3A_408 : memref<64x1024xf32, #tpu.memory_space<hbm>>) target_semaphore(%run_scoped3A_405 : memref<!tpu.dma_semaphore, #tpu.memory_space<semaphore_mem>>)
        %dma_wait3A = arith.constant 0 : i32
        %dma_wait3A_409 = tpu.memref_slice %arg4[%add3A_330, %dma_wait3A] : memref<16384x1024xf32, #tpu.memory_space<hbm>> -> memref<64x1024xf32, #tpu.memory_space<hbm>>
        %dma_wait3A_410 = arith.constant 0 : i32
        %dma_wait3A_411 = tpu.memref_slice %arg4[%add3A_330, %dma_wait3A_410] : memref<16384x1024xf32, #tpu.memory_space<hbm>> -> memref<64x1024xf32, #tpu.memory_space<hbm>>
        tpu.wait_dma2 semaphore(%run_scoped3A_405 : memref<!tpu.dma_semaphore, #tpu.memory_space<semaphore_mem>>) src(%run_scoped3A_0 : memref<64x1024xf32, #tpu.memory_space<vmem>>) dst(%dma_wait3A_411 : memref<64x1024xf32, #tpu.memory_space<hbm>>)
        tpu.yield
      }) : () -> ()
      %iota3A_331 = tpu.iota {dimensions = array<i32: 0>} : vector<16xi32>
      %add3A_332 = arith.constant 0 : i32
      %add3A_333 = vector.broadcast %add3A_332 : i32 to vector<16xi32>
      %add3A_334 = arith.addi %iota3A_331, %add3A_333 : vector<16xi32>
      %get3A_335 = arith.constant 384 : index
      %get3A_336 = tpu.vector_load %run_scoped3A[%get3A_335] {strides = array<i32>} : memref<512xi32, #tpu.memory_space<vmem>>, vector<16xi32>,
      tpu.vector_store_idx %run_scoped3A_0[%add3A_334, %get3A_336], %broadcast_in_dim3A_6 : memref<64x1024xf32, #tpu.memory_space<vmem>>[vector<16xi32>, vector<16xi32>], vector<16xf32>,
      %iota3A_337 = tpu.iota {dimensions = array<i32: 0>} : vector<16xi32>
      %add3A_338 = arith.constant 16 : i32
      %add3A_339 = vector.broadcast %add3A_338 : i32 to vector<16xi32>
      %add3A_340 = arith.addi %iota3A_337, %add3A_339 : vector<16xi32>
      %get3A_341 = arith.constant 400 : index
      %get3A_342 = tpu.vector_load %run_scoped3A[%get3A_341] {strides = array<i32>} : memref<512xi32, #tpu.memory_space<vmem>>, vector<16xi32>,
      tpu.vector_store_idx %run_scoped3A_0[%add3A_340, %get3A_342], %broadcast_in_dim3A_6 : memref<64x1024xf32, #tpu.memory_space<vmem>>[vector<16xi32>, vector<16xi32>], vector<16xf32>,
      %iota3A_343 = tpu.iota {dimensions = array<i32: 0>} : vector<16xi32>
      %add3A_344 = arith.constant 32 : i32
      %add3A_345 = vector.broadcast %add3A_344 : i32 to vector<16xi32>
      %add3A_346 = arith.addi %iota3A_343, %add3A_345 : vector<16xi32>
      %get3A_347 = arith.constant 416 : index
      %get3A_348 = tpu.vector_load %run_scoped3A[%get3A_347] {strides = array<i32>} : memref<512xi32, #tpu.memory_space<vmem>>, vector<16xi32>,
      tpu.vector_store_idx %run_scoped3A_0[%add3A_346, %get3A_348], %broadcast_in_dim3A_6 : memref<64x1024xf32, #tpu.memory_space<vmem>>[vector<16xi32>, vector<16xi32>], vector<16xf32>,
      %iota3A_349 = tpu.iota {dimensions = array<i32: 0>} : vector<16xi32>
      %add3A_350 = arith.constant 48 : i32
      %add3A_351 = vector.broadcast %add3A_350 : i32 to vector<16xi32>
      %add3A_352 = arith.addi %iota3A_349, %add3A_351 : vector<16xi32>
      %get3A_353 = arith.constant 432 : index
      %get3A_354 = tpu.vector_load %run_scoped3A[%get3A_353] {strides = array<i32>} : memref<512xi32, #tpu.memory_space<vmem>>, vector<16xi32>,
      tpu.vector_store_idx %run_scoped3A_0[%add3A_352, %get3A_354], %broadcast_in_dim3A_6 : memref<64x1024xf32, #tpu.memory_space<vmem>>[vector<16xi32>, vector<16xi32>], vector<16xf32>,
      %iota3A_355 = tpu.iota {dimensions = array<i32: 0>} : vector<16xi32>
      %add3A_356 = arith.constant 0 : i32
      %add3A_357 = vector.broadcast %add3A_356 : i32 to vector<16xi32>
      %add3A_358 = arith.addi %iota3A_355, %add3A_357 : vector<16xi32>
      %get3A_359 = arith.constant 448 : index
      %get3A_360 = tpu.vector_load %run_scoped3A[%get3A_359] {strides = array<i32>} : memref<512xi32, #tpu.memory_space<vmem>>, vector<16xi32>,
      tpu.vector_store_idx %run_scoped3A_0[%add3A_358, %get3A_360], %broadcast_in_dim3A_4 : memref<64x1024xf32, #tpu.memory_space<vmem>>[vector<16xi32>, vector<16xi32>], vector<16xf32>,
      %iota3A_361 = tpu.iota {dimensions = array<i32: 0>} : vector<16xi32>
      %add3A_362 = arith.constant 16 : i32
      %add3A_363 = vector.broadcast %add3A_362 : i32 to vector<16xi32>
      %add3A_364 = arith.addi %iota3A_361, %add3A_363 : vector<16xi32>
      %get3A_365 = arith.constant 464 : index
      %get3A_366 = tpu.vector_load %run_scoped3A[%get3A_365] {strides = array<i32>} : memref<512xi32, #tpu.memory_space<vmem>>, vector<16xi32>,
      tpu.vector_store_idx %run_scoped3A_0[%add3A_364, %get3A_366], %broadcast_in_dim3A_4 : memref<64x1024xf32, #tpu.memory_space<vmem>>[vector<16xi32>, vector<16xi32>], vector<16xf32>,
      %iota3A_367 = tpu.iota {dimensions = array<i32: 0>} : vector<16xi32>
      %add3A_368 = arith.constant 32 : i32
      %add3A_369 = vector.broadcast %add3A_368 : i32 to vector<16xi32>
      %add3A_370 = arith.addi %iota3A_367, %add3A_369 : vector<16xi32>
      %get3A_371 = arith.constant 480 : index
      %get3A_372 = tpu.vector_load %run_scoped3A[%get3A_371] {strides = array<i32>} : memref<512xi32, #tpu.memory_space<vmem>>, vector<16xi32>,
      tpu.vector_store_idx %run_scoped3A_0[%add3A_370, %get3A_372], %broadcast_in_dim3A_4 : memref<64x1024xf32, #tpu.memory_space<vmem>>[vector<16xi32>, vector<16xi32>], vector<16xf32>,
      %iota3A_373 = tpu.iota {dimensions = array<i32: 0>} : vector<16xi32>
      %add3A_374 = arith.constant 48 : i32
      %add3A_375 = vector.broadcast %add3A_374 : i32 to vector<16xi32>
      %add3A_376 = arith.addi %iota3A_373, %add3A_375 : vector<16xi32>
      %get3A_377 = arith.constant 496 : index
      %get3A_378 = tpu.vector_load %run_scoped3A[%get3A_377] {strides = array<i32>} : memref<512xi32, #tpu.memory_space<vmem>>, vector<16xi32>,
      tpu.vector_store_idx %run_scoped3A_0[%add3A_376, %get3A_378], %broadcast_in_dim3A_4 : memref<64x1024xf32, #tpu.memory_space<vmem>>[vector<16xi32>, vector<16xi32>], vector<16xf32>,
      %add3A_379 = arith.constant 448 : i32
      %add3A_380 = arith.addi %mul3A_3, %add3A_379 : i32
      "tpu.region"() ({
        %run_scoped3A_405 = tpu.sem_alloc : memref<!tpu.dma_semaphore, #tpu.memory_space<semaphore_mem>>
        %dma_start3A = arith.constant 0 : i32
        %dma_start3A_406 = tpu.memref_slice %arg4[%add3A_380, %dma_start3A] : memref<16384x1024xf32, #tpu.memory_space<hbm>> -> memref<64x1024xf32, #tpu.memory_space<hbm>>
        %dma_start3A_407 = arith.constant 0 : i32
        %dma_start3A_408 = tpu.memref_slice %arg4[%add3A_380, %dma_start3A_407] : memref<16384x1024xf32, #tpu.memory_space<hbm>> -> memref<64x1024xf32, #tpu.memory_space<hbm>>
        tpu.enqueue_dma source(%run_scoped3A_0 : memref<64x1024xf32, #tpu.memory_space<vmem>>) target(%dma_start3A_408 : memref<64x1024xf32, #tpu.memory_space<hbm>>) target_semaphore(%run_scoped3A_405 : memref<!tpu.dma_semaphore, #tpu.memory_space<semaphore_mem>>)
        %dma_wait3A = arith.constant 0 : i32
        %dma_wait3A_409 = tpu.memref_slice %arg4[%add3A_380, %dma_wait3A] : memref<16384x1024xf32, #tpu.memory_space<hbm>> -> memref<64x1024xf32, #tpu.memory_space<hbm>>
        %dma_wait3A_410 = arith.constant 0 : i32
        %dma_wait3A_411 = tpu.memref_slice %arg4[%add3A_380, %dma_wait3A_410] : memref<16384x1024xf32, #tpu.memory_space<hbm>> -> memref<64x1024xf32, #tpu.memory_space<hbm>>
        tpu.wait_dma2 semaphore(%run_scoped3A_405 : memref<!tpu.dma_semaphore, #tpu.memory_space<semaphore_mem>>) src(%run_scoped3A_0 : memref<64x1024xf32, #tpu.memory_space<vmem>>) dst(%dma_wait3A_411 : memref<64x1024xf32, #tpu.memory_space<hbm>>)
        tpu.yield
      }) : () -> ()
      %iota3A_381 = tpu.iota {dimensions = array<i32: 0>} : vector<16xi32>
      %add3A_382 = arith.constant 0 : i32
      %add3A_383 = vector.broadcast %add3A_382 : i32 to vector<16xi32>
      %add3A_384 = arith.addi %iota3A_381, %add3A_383 : vector<16xi32>
      %get3A_385 = arith.constant 448 : index
      %get3A_386 = tpu.vector_load %run_scoped3A[%get3A_385] {strides = array<i32>} : memref<512xi32, #tpu.memory_space<vmem>>, vector<16xi32>,
      tpu.vector_store_idx %run_scoped3A_0[%add3A_384, %get3A_386], %broadcast_in_dim3A_6 : memref<64x1024xf32, #tpu.memory_space<vmem>>[vector<16xi32>, vector<16xi32>], vector<16xf32>,
      %iota3A_387 = tpu.iota {dimensions = array<i32: 0>} : vector<16xi32>
      %add3A_388 = arith.constant 16 : i32
      %add3A_389 = vector.broadcast %add3A_388 : i32 to vector<16xi32>
      %add3A_390 = arith.addi %iota3A_387, %add3A_389 : vector<16xi32>
      %get3A_391 = arith.constant 464 : index
      %get3A_392 = tpu.vector_load %run_scoped3A[%get3A_391] {strides = array<i32>} : memref<512xi32, #tpu.memory_space<vmem>>, vector<16xi32>,
      tpu.vector_store_idx %run_scoped3A_0[%add3A_390, %get3A_392], %broadcast_in_dim3A_6 : memref<64x1024xf32, #tpu.memory_space<vmem>>[vector<16xi32>, vector<16xi32>], vector<16xf32>,
      %iota3A_393 = tpu.iota {dimensions = array<i32: 0>} : vector<16xi32>
      %add3A_394 = arith.constant 32 : i32
      %add3A_395 = vector.broadcast %add3A_394 : i32 to vector<16xi32>
      %add3A_396 = arith.addi %iota3A_393, %add3A_395 : vector<16xi32>
      %get3A_397 = arith.constant 480 : index
      %get3A_398 = tpu.vector_load %run_scoped3A[%get3A_397] {strides = array<i32>} : memref<512xi32, #tpu.memory_space<vmem>>, vector<16xi32>,
      tpu.vector_store_idx %run_scoped3A_0[%add3A_396, %get3A_398], %broadcast_in_dim3A_6 : memref<64x1024xf32, #tpu.memory_space<vmem>>[vector<16xi32>, vector<16xi32>], vector<16xf32>,
      %iota3A_399 = tpu.iota {dimensions = array<i32: 0>} : vector<16xi32>
      %add3A_400 = arith.constant 48 : i32
      %add3A_401 = vector.broadcast %add3A_400 : i32 to vector<16xi32>
      %add3A_402 = arith.addi %iota3A_399, %add3A_401 : vector<16xi32>
      %get3A_403 = arith.constant 496 : index
      %get3A_404 = tpu.vector_load %run_scoped3A[%get3A_403] {strides = array<i32>} : memref<512xi32, #tpu.memory_space<vmem>>, vector<16xi32>,
      tpu.vector_store_idx %run_scoped3A_0[%add3A_402, %get3A_404], %broadcast_in_dim3A_6 : memref<64x1024xf32, #tpu.memory_space<vmem>>[vector<16xi32>, vector<16xi32>], vector<16xf32>,
      tpu.yield
    }) : () -> ()
    return
  }
}

module attributes {stable_mosaic.version = 14 : i64} {
  func.func @_vq_body(%arg0: i32, %arg1: memref<4x64x1024xf32, #tpu.memory_space<vmem>>, %arg2: memref<1024x64xf32, #tpu.memory_space<vmem>>, %arg3: memref<1024x64xf32, #tpu.memory_space<vmem>>, %arg4: memref<1x1024xf32, #tpu.memory_space<vmem>>, %arg5: memref<4x64x1024xf32, #tpu.memory_space<vmem>>, %arg6: memref<1x1x4096xi32, #tpu.memory_space<vmem>>, %arg7: memref<1xf32, #tpu.memory_space<smem>>, %arg8: memref<1xf32, #tpu.memory_space<smem>>, %arg9: memref<1xf32, #tpu.memory_space<smem>>, %arg10: memref<1x1024xf32, #tpu.memory_space<vmem>>) attributes {dimension_semantics = [#tpu.dimension_semantics<arbitrary>], iteration_bounds = array<i64: 4>, scalar_prefetch = 0 : i64, scratch_operands = 2 : i64, tpu.core_type = #tpu.core_type<tc>, window_params = [{transform_indices = @transform_0, window_bounds = array<i64: 4, 64, 1024>}, {pipeline_mode = #tpu.pipeline_mode<synchronous>, transform_indices = @transform_1, window_bounds = array<i64: 1024, 64>}, {pipeline_mode = #tpu.pipeline_mode<synchronous>, transform_indices = @transform_2, window_bounds = array<i64: 1024, 64>}, {pipeline_mode = #tpu.pipeline_mode<synchronous>, transform_indices = @transform_3, window_bounds = array<i64: 1, 1024>}, {transform_indices = @transform_4, window_bounds = array<i64: 4, 64, 1024>}, {transform_indices = @transform_5, window_bounds = array<i64: 1, 1, 4096>}, {transform_indices = @transform_6, window_bounds = array<i64: 1>}, {transform_indices = @transform_7, window_bounds = array<i64: 1>}]} {
    %get3A = arith.constant 0 : index
    %get3A_0 = arith.constant 0 : index
    %get3A_1 = vector.load %arg2[%get3A, %get3A_0] : memref<1024x64xf32, #tpu.memory_space<vmem>>, vector<1024x64xf32>
    %get3A_2 = arith.constant 0 : index
    %get3A_3 = arith.constant 0 : index
    %get3A_4 = vector.load %arg3[%get3A_2, %get3A_3] : memref<1024x64xf32, #tpu.memory_space<vmem>>, vector<1024x64xf32>
    %get3A_5 = arith.constant 0 : index
    %get3A_6 = arith.constant 0 : index
    %get3A_7 = vector.load %arg4[%get3A_5, %get3A_6] : memref<1x1024xf32, #tpu.memory_space<vmem>>, vector<1x1024xf32>
    %eq3A = arith.constant 0 : i32
    %eq3A_8 = arith.cmpi eq, %arg0, %eq3A : i32
    %convert_element_type3A = arith.extui %eq3A_8 : i1 to i32
    %cond3A = arith.constant 0 : i32
    %cond3A_9 = arith.cmpi ne, %convert_element_type3A, %cond3A : i32
    scf.if %cond3A_9 {
      %swap3A_235 = arith.constant 0.000000e+00 : f32
      %swap3A_236 = arith.constant 0 : index
      %swap3A_237 = memref.load %arg9[%swap3A_236] : memref<1xf32, #tpu.memory_space<smem>>
      memref.store %swap3A_235, %arg9[%swap3A_236] : memref<1xf32, #tpu.memory_space<smem>>
      %broadcast_in_dim3A_238 = arith.constant 0.000000e+00 : f32
      %broadcast_in_dim3A_239 = vector.broadcast %broadcast_in_dim3A_238 : f32 to vector<1x1024xf32>
      %swap3A_240 = arith.constant 0 : index
      %swap3A_241 = arith.constant 0 : index
      %swap3A_242 = vector.load %arg10[%swap3A_240, %swap3A_241] : memref<1x1024xf32, #tpu.memory_space<vmem>>, vector<1x1024xf32>
      tpu.vector_store %arg10[%swap3A_240, %swap3A_241], %broadcast_in_dim3A_239 {strides = array<i32>} : memref<1x1024xf32, #tpu.memory_space<vmem>>, vector<1x1024xf32>,
    } else {
    }
    %iota3A = tpu.iota {dimensions = array<i32: 1>} : vector<1024x1024xi32>
    %get3A_10 = arith.constant 0 : index
    %get3A_11 = arith.constant 0 : index
    %get3A_12 = arith.constant 0 : index
    %get3A_13 = vector.load %arg1[%get3A_10, %get3A_11, %get3A_12] : memref<4x64x1024xf32, #tpu.memory_space<vmem>>, vector<1x64x1024xf32>
    %get3A_14 = vector.shape_cast %get3A_13 : vector<1x64x1024xf32> to vector<64x1024xf32>
    %mul3A = arith.mulf %get3A_14, %get3A_14 : vector<64x1024xf32>
    %reduce_sum3A = arith.constant dense<0.000000e+00> : vector<1024xf32>
    %reduce_sum3A_15 = vector.multi_reduction <add>, %mul3A, %reduce_sum3A [0] : vector<64x1024xf32> to vector<1024xf32>
    %broadcast_in_dim3A = vector.shape_cast %reduce_sum3A_15 : vector<1024xf32> to vector<1024x1xf32>
    %dot_general3A = arith.constant dense<0.000000e+00> : vector<1024x1024xf32>
    %dot_general3A_16 = tpu.matmul %get3A_14, %get3A_4, %dot_general3A {dimension_numbers = #tpu.dot_dimension_numbers<[0], [1], [1], [0], [0, 1, 1, 0], [], []>, transpose_lhs_hint = false} : vector<64x1024xf32>, vector<1024x64xf32>, vector<1024x1024xf32> -> vector<1024x1024xf32>
    %add3A = vector.broadcast %broadcast_in_dim3A : vector<1024x1xf32> to vector<1024x1024xf32>
    %add3A_17 = vector.broadcast %get3A_7 : vector<1x1024xf32> to vector<1024x1024xf32>
    %add3A_18 = arith.addf %add3A, %add3A_17 : vector<1024x1024xf32>
    %add3A_19 = arith.addf %add3A_18, %dot_general3A_16 : vector<1024x1024xf32>
    %argmin3A = tpu.reduce_index %add3A_19 {axis = 1 : i32, kind = #tpu.reduction_kind<arg_min>} : vector<1024x1024xf32> -> vector<1024xi32>
    %swap3A = arith.constant 0 : index
    %swap3A_20 = arith.constant 0 : index
    %swap3A_21 = arith.constant 0 : index
    %swap3A_22 = vector.load %arg6[%swap3A, %swap3A_20, %swap3A_21] : memref<1x1x4096xi32, #tpu.memory_space<vmem>>, vector<1x1x1024xi32>
    %swap3A_23 = vector.shape_cast %swap3A_22 : vector<1x1x1024xi32> to vector<1024xi32>
    %swap3A_24 = vector.shape_cast %argmin3A : vector<1024xi32> to vector<1x1x1024xi32>
    tpu.vector_store %arg6[%swap3A, %swap3A_20, %swap3A_21], %swap3A_24 {strides = array<i32>} : memref<1x1x4096xi32, #tpu.memory_space<vmem>>, vector<1x1x1024xi32>,
    %broadcast_in_dim3A_25 = vector.shape_cast %argmin3A : vector<1024xi32> to vector<1024x1xi32>
    %eq3A_26 = vector.broadcast %broadcast_in_dim3A_25 : vector<1024x1xi32> to vector<1024x1024xi32>
    %eq3A_27 = arith.cmpi eq, %iota3A, %eq3A_26 : vector<1024x1024xi32>
    %convert_element_type3A_28 = arith.extui %eq3A_27 : vector<1024x1024xi1> to vector<1024x1024xi32>
    %convert_element_type3A_29 = arith.sitofp %convert_element_type3A_28 : vector<1024x1024xi32> to vector<1024x1024xf32>
    %dot_general3A_30 = arith.constant dense<0.000000e+00> : vector<64x1024xf32>
    %dot_general3A_31 = tpu.matmul %get3A_1, %convert_element_type3A_29, %dot_general3A_30 {dimension_numbers = #tpu.dot_dimension_numbers<[0], [1], [1], [0], [0, 1, 1, 0], [], []>, transpose_lhs_hint = false} : vector<1024x64xf32>, vector<1024x1024xf32>, vector<64x1024xf32> -> vector<64x1024xf32>
    %swap3A_32 = arith.constant 0 : index
    %swap3A_33 = arith.constant 0 : index
    %swap3A_34 = arith.constant 0 : index
    %swap3A_35 = vector.load %arg5[%swap3A_32, %swap3A_33, %swap3A_34] : memref<4x64x1024xf32, #tpu.memory_space<vmem>>, vector<1x64x1024xf32>
    %swap3A_36 = vector.shape_cast %swap3A_35 : vector<1x64x1024xf32> to vector<64x1024xf32>
    %swap3A_37 = vector.shape_cast %dot_general3A_31 : vector<64x1024xf32> to vector<1x64x1024xf32>
    tpu.vector_store %arg5[%swap3A_32, %swap3A_33, %swap3A_34], %swap3A_37 {strides = array<i32>} : memref<4x64x1024xf32, #tpu.memory_space<vmem>>, vector<1x64x1024xf32>,
    %sub3A = arith.subf %dot_general3A_31, %get3A_14 : vector<64x1024xf32>
    %get3A_38 = arith.constant 0 : index
    %get3A_39 = memref.load %arg9[%get3A_38] : memref<1xf32, #tpu.memory_space<smem>>
    %mul3A_40 = arith.mulf %sub3A, %sub3A : vector<64x1024xf32>
    %reduce_sum3A_41 = vector.shape_cast %mul3A_40 : vector<64x1024xf32> to vector<1x64x1024xf32>
    %reduce_sum3A_42 = arith.constant dense<0.000000e+00> : vector<1xf32>
    %reduce_sum3A_43 = vector.multi_reduction <add>, %reduce_sum3A_41, %reduce_sum3A_42 [1, 2] : vector<1x64x1024xf32> to vector<1xf32>
    %reduce_sum3A_44 = vector.shape_cast %reduce_sum3A_43 : vector<1xf32> to vector<1x1x1xf32>
    %reduce_sum3A_45 = vector.extract %reduce_sum3A_44[0, 0, 0] : f32 from vector<1x1x1xf32>
    %add3A_46 = arith.addf %get3A_39, %reduce_sum3A_45 : f32
    %swap3A_47 = arith.constant 0 : index
    %swap3A_48 = memref.load %arg9[%swap3A_47] : memref<1xf32, #tpu.memory_space<smem>>
    memref.store %add3A_46, %arg9[%swap3A_47] : memref<1xf32, #tpu.memory_space<smem>>
    %get3A_49 = arith.constant 0 : index
    %get3A_50 = arith.constant 0 : index
    %get3A_51 = vector.load %arg10[%get3A_49, %get3A_50] : memref<1x1024xf32, #tpu.memory_space<vmem>>, vector<1x1024xf32>
    %reduce_sum3A_52 = arith.constant dense<0.000000e+00> : vector<1024xf32>
    %reduce_sum3A_53 = vector.multi_reduction <add>, %convert_element_type3A_29, %reduce_sum3A_52 [0] : vector<1024x1024xf32> to vector<1024xf32>
    %broadcast_in_dim3A_54 = vector.shape_cast %reduce_sum3A_53 : vector<1024xf32> to vector<1x1024xf32>
    %add3A_55 = arith.addf %get3A_51, %broadcast_in_dim3A_54 : vector<1x1024xf32>
    %swap3A_56 = arith.constant 0 : index
    %swap3A_57 = arith.constant 0 : index
    %swap3A_58 = vector.load %arg10[%swap3A_56, %swap3A_57] : memref<1x1024xf32, #tpu.memory_space<vmem>>, vector<1x1024xf32>
    tpu.vector_store %arg10[%swap3A_56, %swap3A_57], %add3A_55 {strides = array<i32>} : memref<1x1024xf32, #tpu.memory_space<vmem>>, vector<1x1024xf32>,
    %get3A_59 = arith.constant 1 : index
    %get3A_60 = arith.constant 0 : index
    %get3A_61 = arith.constant 0 : index
    %get3A_62 = vector.load %arg1[%get3A_59, %get3A_60, %get3A_61] : memref<4x64x1024xf32, #tpu.memory_space<vmem>>, vector<1x64x1024xf32>
    %get3A_63 = vector.shape_cast %get3A_62 : vector<1x64x1024xf32> to vector<64x1024xf32>
    %mul3A_64 = arith.mulf %get3A_63, %get3A_63 : vector<64x1024xf32>
    %reduce_sum3A_65 = arith.constant dense<0.000000e+00> : vector<1024xf32>
    %reduce_sum3A_66 = vector.multi_reduction <add>, %mul3A_64, %reduce_sum3A_65 [0] : vector<64x1024xf32> to vector<1024xf32>
    %broadcast_in_dim3A_67 = vector.shape_cast %reduce_sum3A_66 : vector<1024xf32> to vector<1024x1xf32>
    %dot_general3A_68 = arith.constant dense<0.000000e+00> : vector<1024x1024xf32>
    %dot_general3A_69 = tpu.matmul %get3A_63, %get3A_4, %dot_general3A_68 {dimension_numbers = #tpu.dot_dimension_numbers<[0], [1], [1], [0], [0, 1, 1, 0], [], []>, transpose_lhs_hint = false} : vector<64x1024xf32>, vector<1024x64xf32>, vector<1024x1024xf32> -> vector<1024x1024xf32>
    %add3A_70 = vector.broadcast %broadcast_in_dim3A_67 : vector<1024x1xf32> to vector<1024x1024xf32>
    %add3A_71 = vector.broadcast %get3A_7 : vector<1x1024xf32> to vector<1024x1024xf32>
    %add3A_72 = arith.addf %add3A_70, %add3A_71 : vector<1024x1024xf32>
    %add3A_73 = arith.addf %add3A_72, %dot_general3A_69 : vector<1024x1024xf32>
    %argmin3A_74 = tpu.reduce_index %add3A_73 {axis = 1 : i32, kind = #tpu.reduction_kind<arg_min>} : vector<1024x1024xf32> -> vector<1024xi32>
    %swap3A_75 = arith.constant 0 : index
    %swap3A_76 = arith.constant 0 : index
    %swap3A_77 = arith.constant 1024 : index
    %swap3A_78 = vector.load %arg6[%swap3A_75, %swap3A_76, %swap3A_77] : memref<1x1x4096xi32, #tpu.memory_space<vmem>>, vector<1x1x1024xi32>
    %swap3A_79 = vector.shape_cast %swap3A_78 : vector<1x1x1024xi32> to vector<1024xi32>
    %swap3A_80 = vector.shape_cast %argmin3A_74 : vector<1024xi32> to vector<1x1x1024xi32>
    tpu.vector_store %arg6[%swap3A_75, %swap3A_76, %swap3A_77], %swap3A_80 {strides = array<i32>} : memref<1x1x4096xi32, #tpu.memory_space<vmem>>, vector<1x1x1024xi32>,
    %broadcast_in_dim3A_81 = vector.shape_cast %argmin3A_74 : vector<1024xi32> to vector<1024x1xi32>
    %eq3A_82 = vector.broadcast %broadcast_in_dim3A_81 : vector<1024x1xi32> to vector<1024x1024xi32>
    %eq3A_83 = arith.cmpi eq, %iota3A, %eq3A_82 : vector<1024x1024xi32>
    %convert_element_type3A_84 = arith.extui %eq3A_83 : vector<1024x1024xi1> to vector<1024x1024xi32>
    %convert_element_type3A_85 = arith.sitofp %convert_element_type3A_84 : vector<1024x1024xi32> to vector<1024x1024xf32>
    %dot_general3A_86 = arith.constant dense<0.000000e+00> : vector<64x1024xf32>
    %dot_general3A_87 = tpu.matmul %get3A_1, %convert_element_type3A_85, %dot_general3A_86 {dimension_numbers = #tpu.dot_dimension_numbers<[0], [1], [1], [0], [0, 1, 1, 0], [], []>, transpose_lhs_hint = false} : vector<1024x64xf32>, vector<1024x1024xf32>, vector<64x1024xf32> -> vector<64x1024xf32>
    %swap3A_88 = arith.constant 1 : index
    %swap3A_89 = arith.constant 0 : index
    %swap3A_90 = arith.constant 0 : index
    %swap3A_91 = vector.load %arg5[%swap3A_88, %swap3A_89, %swap3A_90] : memref<4x64x1024xf32, #tpu.memory_space<vmem>>, vector<1x64x1024xf32>
    %swap3A_92 = vector.shape_cast %swap3A_91 : vector<1x64x1024xf32> to vector<64x1024xf32>
    %swap3A_93 = vector.shape_cast %dot_general3A_87 : vector<64x1024xf32> to vector<1x64x1024xf32>
    tpu.vector_store %arg5[%swap3A_88, %swap3A_89, %swap3A_90], %swap3A_93 {strides = array<i32>} : memref<4x64x1024xf32, #tpu.memory_space<vmem>>, vector<1x64x1024xf32>,
    %sub3A_94 = arith.subf %dot_general3A_87, %get3A_63 : vector<64x1024xf32>
    %get3A_95 = arith.constant 0 : index
    %get3A_96 = memref.load %arg9[%get3A_95] : memref<1xf32, #tpu.memory_space<smem>>
    %mul3A_97 = arith.mulf %sub3A_94, %sub3A_94 : vector<64x1024xf32>
    %reduce_sum3A_98 = vector.shape_cast %mul3A_97 : vector<64x1024xf32> to vector<1x64x1024xf32>
    %reduce_sum3A_99 = arith.constant dense<0.000000e+00> : vector<1xf32>
    %reduce_sum3A_100 = vector.multi_reduction <add>, %reduce_sum3A_98, %reduce_sum3A_99 [1, 2] : vector<1x64x1024xf32> to vector<1xf32>
    %reduce_sum3A_101 = vector.shape_cast %reduce_sum3A_100 : vector<1xf32> to vector<1x1x1xf32>
    %reduce_sum3A_102 = vector.extract %reduce_sum3A_101[0, 0, 0] : f32 from vector<1x1x1xf32>
    %add3A_103 = arith.addf %get3A_96, %reduce_sum3A_102 : f32
    %swap3A_104 = arith.constant 0 : index
    %swap3A_105 = memref.load %arg9[%swap3A_104] : memref<1xf32, #tpu.memory_space<smem>>
    memref.store %add3A_103, %arg9[%swap3A_104] : memref<1xf32, #tpu.memory_space<smem>>
    %get3A_106 = arith.constant 0 : index
    %get3A_107 = arith.constant 0 : index
    %get3A_108 = vector.load %arg10[%get3A_106, %get3A_107] : memref<1x1024xf32, #tpu.memory_space<vmem>>, vector<1x1024xf32>
    %reduce_sum3A_109 = arith.constant dense<0.000000e+00> : vector<1024xf32>
    %reduce_sum3A_110 = vector.multi_reduction <add>, %convert_element_type3A_85, %reduce_sum3A_109 [0] : vector<1024x1024xf32> to vector<1024xf32>
    %broadcast_in_dim3A_111 = vector.shape_cast %reduce_sum3A_110 : vector<1024xf32> to vector<1x1024xf32>
    %add3A_112 = arith.addf %get3A_108, %broadcast_in_dim3A_111 : vector<1x1024xf32>
    %swap3A_113 = arith.constant 0 : index
    %swap3A_114 = arith.constant 0 : index
    %swap3A_115 = vector.load %arg10[%swap3A_113, %swap3A_114] : memref<1x1024xf32, #tpu.memory_space<vmem>>, vector<1x1024xf32>
    tpu.vector_store %arg10[%swap3A_113, %swap3A_114], %add3A_112 {strides = array<i32>} : memref<1x1024xf32, #tpu.memory_space<vmem>>, vector<1x1024xf32>,
    %get3A_116 = arith.constant 2 : index
    %get3A_117 = arith.constant 0 : index
    %get3A_118 = arith.constant 0 : index
    %get3A_119 = vector.load %arg1[%get3A_116, %get3A_117, %get3A_118] : memref<4x64x1024xf32, #tpu.memory_space<vmem>>, vector<1x64x1024xf32>
    %get3A_120 = vector.shape_cast %get3A_119 : vector<1x64x1024xf32> to vector<64x1024xf32>
    %mul3A_121 = arith.mulf %get3A_120, %get3A_120 : vector<64x1024xf32>
    %reduce_sum3A_122 = arith.constant dense<0.000000e+00> : vector<1024xf32>
    %reduce_sum3A_123 = vector.multi_reduction <add>, %mul3A_121, %reduce_sum3A_122 [0] : vector<64x1024xf32> to vector<1024xf32>
    %broadcast_in_dim3A_124 = vector.shape_cast %reduce_sum3A_123 : vector<1024xf32> to vector<1024x1xf32>
    %dot_general3A_125 = arith.constant dense<0.000000e+00> : vector<1024x1024xf32>
    %dot_general3A_126 = tpu.matmul %get3A_120, %get3A_4, %dot_general3A_125 {dimension_numbers = #tpu.dot_dimension_numbers<[0], [1], [1], [0], [0, 1, 1, 0], [], []>, transpose_lhs_hint = false} : vector<64x1024xf32>, vector<1024x64xf32>, vector<1024x1024xf32> -> vector<1024x1024xf32>
    %add3A_127 = vector.broadcast %broadcast_in_dim3A_124 : vector<1024x1xf32> to vector<1024x1024xf32>
    %add3A_128 = vector.broadcast %get3A_7 : vector<1x1024xf32> to vector<1024x1024xf32>
    %add3A_129 = arith.addf %add3A_127, %add3A_128 : vector<1024x1024xf32>
    %add3A_130 = arith.addf %add3A_129, %dot_general3A_126 : vector<1024x1024xf32>
    %argmin3A_131 = tpu.reduce_index %add3A_130 {axis = 1 : i32, kind = #tpu.reduction_kind<arg_min>} : vector<1024x1024xf32> -> vector<1024xi32>
    %swap3A_132 = arith.constant 0 : index
    %swap3A_133 = arith.constant 0 : index
    %swap3A_134 = arith.constant 2048 : index
    %swap3A_135 = vector.load %arg6[%swap3A_132, %swap3A_133, %swap3A_134] : memref<1x1x4096xi32, #tpu.memory_space<vmem>>, vector<1x1x1024xi32>
    %swap3A_136 = vector.shape_cast %swap3A_135 : vector<1x1x1024xi32> to vector<1024xi32>
    %swap3A_137 = vector.shape_cast %argmin3A_131 : vector<1024xi32> to vector<1x1x1024xi32>
    tpu.vector_store %arg6[%swap3A_132, %swap3A_133, %swap3A_134], %swap3A_137 {strides = array<i32>} : memref<1x1x4096xi32, #tpu.memory_space<vmem>>, vector<1x1x1024xi32>,
    %broadcast_in_dim3A_138 = vector.shape_cast %argmin3A_131 : vector<1024xi32> to vector<1024x1xi32>
    %eq3A_139 = vector.broadcast %broadcast_in_dim3A_138 : vector<1024x1xi32> to vector<1024x1024xi32>
    %eq3A_140 = arith.cmpi eq, %iota3A, %eq3A_139 : vector<1024x1024xi32>
    %convert_element_type3A_141 = arith.extui %eq3A_140 : vector<1024x1024xi1> to vector<1024x1024xi32>
    %convert_element_type3A_142 = arith.sitofp %convert_element_type3A_141 : vector<1024x1024xi32> to vector<1024x1024xf32>
    %dot_general3A_143 = arith.constant dense<0.000000e+00> : vector<64x1024xf32>
    %dot_general3A_144 = tpu.matmul %get3A_1, %convert_element_type3A_142, %dot_general3A_143 {dimension_numbers = #tpu.dot_dimension_numbers<[0], [1], [1], [0], [0, 1, 1, 0], [], []>, transpose_lhs_hint = false} : vector<1024x64xf32>, vector<1024x1024xf32>, vector<64x1024xf32> -> vector<64x1024xf32>
    %swap3A_145 = arith.constant 2 : index
    %swap3A_146 = arith.constant 0 : index
    %swap3A_147 = arith.constant 0 : index
    %swap3A_148 = vector.load %arg5[%swap3A_145, %swap3A_146, %swap3A_147] : memref<4x64x1024xf32, #tpu.memory_space<vmem>>, vector<1x64x1024xf32>
    %swap3A_149 = vector.shape_cast %swap3A_148 : vector<1x64x1024xf32> to vector<64x1024xf32>
    %swap3A_150 = vector.shape_cast %dot_general3A_144 : vector<64x1024xf32> to vector<1x64x1024xf32>
    tpu.vector_store %arg5[%swap3A_145, %swap3A_146, %swap3A_147], %swap3A_150 {strides = array<i32>} : memref<4x64x1024xf32, #tpu.memory_space<vmem>>, vector<1x64x1024xf32>,
    %sub3A_151 = arith.subf %dot_general3A_144, %get3A_120 : vector<64x1024xf32>
    %get3A_152 = arith.constant 0 : index
    %get3A_153 = memref.load %arg9[%get3A_152] : memref<1xf32, #tpu.memory_space<smem>>
    %mul3A_154 = arith.mulf %sub3A_151, %sub3A_151 : vector<64x1024xf32>
    %reduce_sum3A_155 = vector.shape_cast %mul3A_154 : vector<64x1024xf32> to vector<1x64x1024xf32>
    %reduce_sum3A_156 = arith.constant dense<0.000000e+00> : vector<1xf32>
    %reduce_sum3A_157 = vector.multi_reduction <add>, %reduce_sum3A_155, %reduce_sum3A_156 [1, 2] : vector<1x64x1024xf32> to vector<1xf32>
    %reduce_sum3A_158 = vector.shape_cast %reduce_sum3A_157 : vector<1xf32> to vector<1x1x1xf32>
    %reduce_sum3A_159 = vector.extract %reduce_sum3A_158[0, 0, 0] : f32 from vector<1x1x1xf32>
    %add3A_160 = arith.addf %get3A_153, %reduce_sum3A_159 : f32
    %swap3A_161 = arith.constant 0 : index
    %swap3A_162 = memref.load %arg9[%swap3A_161] : memref<1xf32, #tpu.memory_space<smem>>
    memref.store %add3A_160, %arg9[%swap3A_161] : memref<1xf32, #tpu.memory_space<smem>>
    %get3A_163 = arith.constant 0 : index
    %get3A_164 = arith.constant 0 : index
    %get3A_165 = vector.load %arg10[%get3A_163, %get3A_164] : memref<1x1024xf32, #tpu.memory_space<vmem>>, vector<1x1024xf32>
    %reduce_sum3A_166 = arith.constant dense<0.000000e+00> : vector<1024xf32>
    %reduce_sum3A_167 = vector.multi_reduction <add>, %convert_element_type3A_142, %reduce_sum3A_166 [0] : vector<1024x1024xf32> to vector<1024xf32>
    %broadcast_in_dim3A_168 = vector.shape_cast %reduce_sum3A_167 : vector<1024xf32> to vector<1x1024xf32>
    %add3A_169 = arith.addf %get3A_165, %broadcast_in_dim3A_168 : vector<1x1024xf32>
    %swap3A_170 = arith.constant 0 : index
    %swap3A_171 = arith.constant 0 : index
    %swap3A_172 = vector.load %arg10[%swap3A_170, %swap3A_171] : memref<1x1024xf32, #tpu.memory_space<vmem>>, vector<1x1024xf32>
    tpu.vector_store %arg10[%swap3A_170, %swap3A_171], %add3A_169 {strides = array<i32>} : memref<1x1024xf32, #tpu.memory_space<vmem>>, vector<1x1024xf32>,
    %get3A_173 = arith.constant 3 : index
    %get3A_174 = arith.constant 0 : index
    %get3A_175 = arith.constant 0 : index
    %get3A_176 = vector.load %arg1[%get3A_173, %get3A_174, %get3A_175] : memref<4x64x1024xf32, #tpu.memory_space<vmem>>, vector<1x64x1024xf32>
    %get3A_177 = vector.shape_cast %get3A_176 : vector<1x64x1024xf32> to vector<64x1024xf32>
    %mul3A_178 = arith.mulf %get3A_177, %get3A_177 : vector<64x1024xf32>
    %reduce_sum3A_179 = arith.constant dense<0.000000e+00> : vector<1024xf32>
    %reduce_sum3A_180 = vector.multi_reduction <add>, %mul3A_178, %reduce_sum3A_179 [0] : vector<64x1024xf32> to vector<1024xf32>
    %broadcast_in_dim3A_181 = vector.shape_cast %reduce_sum3A_180 : vector<1024xf32> to vector<1024x1xf32>
    %dot_general3A_182 = arith.constant dense<0.000000e+00> : vector<1024x1024xf32>
    %dot_general3A_183 = tpu.matmul %get3A_177, %get3A_4, %dot_general3A_182 {dimension_numbers = #tpu.dot_dimension_numbers<[0], [1], [1], [0], [0, 1, 1, 0], [], []>, transpose_lhs_hint = false} : vector<64x1024xf32>, vector<1024x64xf32>, vector<1024x1024xf32> -> vector<1024x1024xf32>
    %add3A_184 = vector.broadcast %broadcast_in_dim3A_181 : vector<1024x1xf32> to vector<1024x1024xf32>
    %add3A_185 = vector.broadcast %get3A_7 : vector<1x1024xf32> to vector<1024x1024xf32>
    %add3A_186 = arith.addf %add3A_184, %add3A_185 : vector<1024x1024xf32>
    %add3A_187 = arith.addf %add3A_186, %dot_general3A_183 : vector<1024x1024xf32>
    %argmin3A_188 = tpu.reduce_index %add3A_187 {axis = 1 : i32, kind = #tpu.reduction_kind<arg_min>} : vector<1024x1024xf32> -> vector<1024xi32>
    %swap3A_189 = arith.constant 0 : index
    %swap3A_190 = arith.constant 0 : index
    %swap3A_191 = arith.constant 3072 : index
    %swap3A_192 = vector.load %arg6[%swap3A_189, %swap3A_190, %swap3A_191] : memref<1x1x4096xi32, #tpu.memory_space<vmem>>, vector<1x1x1024xi32>
    %swap3A_193 = vector.shape_cast %swap3A_192 : vector<1x1x1024xi32> to vector<1024xi32>
    %swap3A_194 = vector.shape_cast %argmin3A_188 : vector<1024xi32> to vector<1x1x1024xi32>
    tpu.vector_store %arg6[%swap3A_189, %swap3A_190, %swap3A_191], %swap3A_194 {strides = array<i32>} : memref<1x1x4096xi32, #tpu.memory_space<vmem>>, vector<1x1x1024xi32>,
    %broadcast_in_dim3A_195 = vector.shape_cast %argmin3A_188 : vector<1024xi32> to vector<1024x1xi32>
    %eq3A_196 = vector.broadcast %broadcast_in_dim3A_195 : vector<1024x1xi32> to vector<1024x1024xi32>
    %eq3A_197 = arith.cmpi eq, %iota3A, %eq3A_196 : vector<1024x1024xi32>
    %convert_element_type3A_198 = arith.extui %eq3A_197 : vector<1024x1024xi1> to vector<1024x1024xi32>
    %convert_element_type3A_199 = arith.sitofp %convert_element_type3A_198 : vector<1024x1024xi32> to vector<1024x1024xf32>
    %dot_general3A_200 = arith.constant dense<0.000000e+00> : vector<64x1024xf32>
    %dot_general3A_201 = tpu.matmul %get3A_1, %convert_element_type3A_199, %dot_general3A_200 {dimension_numbers = #tpu.dot_dimension_numbers<[0], [1], [1], [0], [0, 1, 1, 0], [], []>, transpose_lhs_hint = false} : vector<1024x64xf32>, vector<1024x1024xf32>, vector<64x1024xf32> -> vector<64x1024xf32>
    %swap3A_202 = arith.constant 3 : index
    %swap3A_203 = arith.constant 0 : index
    %swap3A_204 = arith.constant 0 : index
    %swap3A_205 = vector.load %arg5[%swap3A_202, %swap3A_203, %swap3A_204] : memref<4x64x1024xf32, #tpu.memory_space<vmem>>, vector<1x64x1024xf32>
    %swap3A_206 = vector.shape_cast %swap3A_205 : vector<1x64x1024xf32> to vector<64x1024xf32>
    %swap3A_207 = vector.shape_cast %dot_general3A_201 : vector<64x1024xf32> to vector<1x64x1024xf32>
    tpu.vector_store %arg5[%swap3A_202, %swap3A_203, %swap3A_204], %swap3A_207 {strides = array<i32>} : memref<4x64x1024xf32, #tpu.memory_space<vmem>>, vector<1x64x1024xf32>,
    %sub3A_208 = arith.subf %dot_general3A_201, %get3A_177 : vector<64x1024xf32>
    %get3A_209 = arith.constant 0 : index
    %get3A_210 = memref.load %arg9[%get3A_209] : memref<1xf32, #tpu.memory_space<smem>>
    %mul3A_211 = arith.mulf %sub3A_208, %sub3A_208 : vector<64x1024xf32>
    %reduce_sum3A_212 = vector.shape_cast %mul3A_211 : vector<64x1024xf32> to vector<1x64x1024xf32>
    %reduce_sum3A_213 = arith.constant dense<0.000000e+00> : vector<1xf32>
    %reduce_sum3A_214 = vector.multi_reduction <add>, %reduce_sum3A_212, %reduce_sum3A_213 [1, 2] : vector<1x64x1024xf32> to vector<1xf32>
    %reduce_sum3A_215 = vector.shape_cast %reduce_sum3A_214 : vector<1xf32> to vector<1x1x1xf32>
    %reduce_sum3A_216 = vector.extract %reduce_sum3A_215[0, 0, 0] : f32 from vector<1x1x1xf32>
    %add3A_217 = arith.addf %get3A_210, %reduce_sum3A_216 : f32
    %swap3A_218 = arith.constant 0 : index
    %swap3A_219 = memref.load %arg9[%swap3A_218] : memref<1xf32, #tpu.memory_space<smem>>
    memref.store %add3A_217, %arg9[%swap3A_218] : memref<1xf32, #tpu.memory_space<smem>>
    %get3A_220 = arith.constant 0 : index
    %get3A_221 = arith.constant 0 : index
    %get3A_222 = vector.load %arg10[%get3A_220, %get3A_221] : memref<1x1024xf32, #tpu.memory_space<vmem>>, vector<1x1024xf32>
    %reduce_sum3A_223 = arith.constant dense<0.000000e+00> : vector<1024xf32>
    %reduce_sum3A_224 = vector.multi_reduction <add>, %convert_element_type3A_199, %reduce_sum3A_223 [0] : vector<1024x1024xf32> to vector<1024xf32>
    %broadcast_in_dim3A_225 = vector.shape_cast %reduce_sum3A_224 : vector<1024xf32> to vector<1x1024xf32>
    %add3A_226 = arith.addf %get3A_222, %broadcast_in_dim3A_225 : vector<1x1024xf32>
    %swap3A_227 = arith.constant 0 : index
    %swap3A_228 = arith.constant 0 : index
    %swap3A_229 = vector.load %arg10[%swap3A_227, %swap3A_228] : memref<1x1024xf32, #tpu.memory_space<vmem>>, vector<1x1024xf32>
    tpu.vector_store %arg10[%swap3A_227, %swap3A_228], %add3A_226 {strides = array<i32>} : memref<1x1024xf32, #tpu.memory_space<vmem>>, vector<1x1024xf32>,
    %eq3A_230 = arith.constant 3 : i32
    %eq3A_231 = arith.cmpi eq, %arg0, %eq3A_230 : i32
    %convert_element_type3A_232 = arith.extui %eq3A_231 : i1 to i32
    %cond3A_233 = arith.constant 0 : i32
    %cond3A_234 = arith.cmpi ne, %convert_element_type3A_232, %cond3A_233 : i32
    scf.if %cond3A_234 {
      %get3A_235 = arith.constant 0 : index
      %get3A_236 = memref.load %arg9[%get3A_235] : memref<1xf32, #tpu.memory_space<smem>>
      %mul3A_237 = arith.constant 2.38418579E-7 : f32
      %mul3A_238 = arith.mulf %mul3A_237, %get3A_236 : f32
      %swap3A_239 = arith.constant 0 : index
      %swap3A_240 = memref.load %arg7[%swap3A_239] : memref<1xf32, #tpu.memory_space<smem>>
      memref.store %mul3A_238, %arg7[%swap3A_239] : memref<1xf32, #tpu.memory_space<smem>>
      %get3A_241 = arith.constant 0 : index
      %get3A_242 = arith.constant 0 : index
      %get3A_243 = vector.load %arg10[%get3A_241, %get3A_242] : memref<1x1024xf32, #tpu.memory_space<vmem>>, vector<1x1024xf32>
      %get3A_244 = vector.shape_cast %get3A_243 : vector<1x1024xf32> to vector<1024xf32>
      %mul3A_245 = arith.constant 6.10351563E-5 : f32
      %mul3A_246 = vector.broadcast %mul3A_245 : f32 to vector<1024xf32>
      %mul3A_247 = arith.mulf %get3A_244, %mul3A_246 : vector<1024xf32>
      %add3A_248 = arith.constant 1.000000e-10 : f32
      %add3A_249 = vector.broadcast %add3A_248 : f32 to vector<1024xf32>
      %add3A_250 = arith.addf %mul3A_247, %add3A_249 : vector<1024xf32>
      %log3A = math.log %add3A_250 : vector<1024xf32>
      %mul3A_251 = arith.mulf %mul3A_247, %log3A : vector<1024xf32>
      %reduce_sum3A_252 = vector.shape_cast %mul3A_251 : vector<1024xf32> to vector<1x1024xf32>
      %reduce_sum3A_253 = arith.constant dense<0.000000e+00> : vector<1xf32>
      %reduce_sum3A_254 = vector.multi_reduction <add>, %reduce_sum3A_252, %reduce_sum3A_253 [1] : vector<1x1024xf32> to vector<1xf32>
      %reduce_sum3A_255 = vector.shape_cast %reduce_sum3A_254 : vector<1xf32> to vector<1x1xf32>
      %reduce_sum3A_256 = vector.extract %reduce_sum3A_255[0, 0] : f32 from vector<1x1xf32>
      %neg3A = arith.constant 0.000000e+00 : f32
      %neg3A_257 = arith.subf %neg3A, %reduce_sum3A_256 : f32
      %exp3A = math.exp %neg3A_257 : f32
      %swap3A_258 = arith.constant 0 : index
      %swap3A_259 = memref.load %arg8[%swap3A_258] : memref<1xf32, #tpu.memory_space<smem>>
      memref.store %exp3A, %arg8[%swap3A_258] : memref<1xf32, #tpu.memory_space<smem>>
    } else {
    }
    return
  }
  func.func @transform_0(%arg0: i32) -> (i32, i32, i32) {
    %c0_i32 = arith.constant 0 : i32
    %c0_i32_0 = arith.constant 0 : i32
    %c0_i32_1 = arith.constant 0 : i32
    return %arg0, %c0_i32, %c0_i32_0 : i32, i32, i32
  }
  func.func @transform_1(%arg0: i32) -> (i32, i32) {
    %c0_i32 = arith.constant 0 : i32
    %c0_i32_0 = arith.constant 0 : i32
    %c0_i32_1 = arith.constant 0 : i32
    return %c0_i32, %c0_i32_0 : i32, i32
  }
  func.func @transform_2(%arg0: i32) -> (i32, i32) {
    %c0_i32 = arith.constant 0 : i32
    %c0_i32_0 = arith.constant 0 : i32
    %c0_i32_1 = arith.constant 0 : i32
    return %c0_i32, %c0_i32_0 : i32, i32
  }
  func.func @transform_3(%arg0: i32) -> (i32, i32) {
    %c0_i32 = arith.constant 0 : i32
    %c0_i32_0 = arith.constant 0 : i32
    %c0_i32_1 = arith.constant 0 : i32
    return %c0_i32, %c0_i32_0 : i32, i32
  }
  func.func @transform_4(%arg0: i32) -> (i32, i32, i32) {
    %c0_i32 = arith.constant 0 : i32
    %c0_i32_0 = arith.constant 0 : i32
    %c0_i32_1 = arith.constant 0 : i32
    return %arg0, %c0_i32, %c0_i32_0 : i32, i32, i32
  }
  func.func @transform_5(%arg0: i32) -> (i32, i32, i32) {
    %c0_i32 = arith.constant 0 : i32
    %c0_i32_0 = arith.constant 0 : i32
    %c0_i32_1 = arith.constant 0 : i32
    return %arg0, %c0_i32, %c0_i32_0 : i32, i32, i32
  }
  func.func @transform_6(%arg0: i32) -> i32 {
    %c0_i32 = arith.constant 0 : i32
    %c0_i32_0 = arith.constant 0 : i32
    return %c0_i32 : i32
  }
  func.func @transform_7(%arg0: i32) -> i32 {
    %c0_i32 = arith.constant 0 : i32
    %c0_i32_0 = arith.constant 0 : i32
    return %c0_i32 : i32
  }
}

</mosaic_0001>

<sc_bundles>
// kernel: kernel.4.cloned.1.call-start
scs
__scs_entry_jumppad:
0x0: {  	(pc) =	sbr.rel $0x88, $3  }
0x1: {  	(tag) =	ssettag $0x0;
	lr =	simm.s32 $0x1  }
0x2: {  	[smem:$0x3F9F] =	sst lr;
	_ =	strace $0xD0000000  }
0x3: {  	_ = 	snop  }
0x4: {  	_ = 	snop  }
0x5: {  	_ = 	snop  }
0x6: {  	_ = 	snop  }
0x7: {  	_ = 	snop  }
__scs_overlays_trampoline_lowered:
0x8: {  	[smem:$0x3FAE] =	sst s0  }
0x9: {  	[smem:$0x3FAF] =	sst s1  }
0xa: {  	[smem:$0x3FB0] =	sst s2  }
0xb: {  	[smem:$0x3FB1] =	sst s3  }
0xc: {  	[smem:$0x3FB2] =	sst s4  }
0xd: {  	[smem:$0x3FB3] =	sst s5  }
0xe: {  	[smem:$0x3FB4] =	sst s6  }
0xf: {  	[smem:$0x3FB5] =	sst s7  }
0x10: {  	[smem:$0x3FB6] =	sst s8  }
0x11: {  	[smem:$0x3FB7] =	sst s9;
	s0 =	simm.s32 @!p0 $0x0  }
0x12: {  	s1 =	sld [smem:$0x3F9D];
	s0 =	simm.s32 @p0 $0x1  }
0x13: {  	[smem:$0x3FB8] =	sst s0;
	s0 =	simm.s32 @!p1 $0x0  }
0x14: {  	s2 =	sld [smem:$0x3F9C];
	s0 =	simm.s32 @p1 $0x1  }
0x15: {  	[smem:$0x3FB9] =	sst s0;
	s0 =	simm.s32 @!p2 $0x0  }
0x16: {  	s3 =	sld [smem:$0x3FDB];
	s0 =	simm.s32 @p2 $0x1  }
0x17: {  	s4 =	simm.s32 $0x1BF5;
	[smem:$0x3FBB] =	sst s0  }
0x18: {  	s0 =	sld [smem:$0x3F9E];
	_ =	swait.ge [sflag:s4], $0x0  }
0x19: {  	s7 =	sld [smem:$0x3F9F]  }
0x1a: {  	s8 =	sadd.s32 $0xFFFFE003, lr  }
0x1b: {  	s9 =	sadd.s32 $0xFFFFFEF7, lr;
	s5 =	simm.s32 $0xFFFFFFFF;
	p2 =	slt.u32 s8, $0xFFFFF086  }
0x1c: {  	p1 =	slt.u32 s9, $0xF7A;
	s5 =	simm.s32 @!p2 $0x0  }
0x1d: {  	s5 =	simm.s32 @p1 $0x1;
	p0 =	seq.s32 s7, s2  }
0x1e: {  	s7 =	smul.u32 @!p0 $0xF7A, s2;
	p2 =	seq.s32 @!p0 s5, $0x0  }
0x1f: {  	s9 =	smul.u32 $0xF7A, s1;
	s8 =	simm.s32 @!p0 $0x1BF5;
	p2 =	por !p2, p0  }
0x20: {  	[sflag:s8] =	ssyncset.s32 @!p0 $0xFFFFF086;
	s6 =	sadd.s32 @!p0 s3, s7;
	s7 =	simm.s32 @!p0 $0x108  }
0x21: {  	s3 =	sadd.s32 s3, s9;
	s6 =	sadd.s32 @!p0 $0x88, s6;
	s7 =	simm.s32 @p2 $0x1082  }
0x22: {  	[simem:s7], [sflag:s8] =	dma.local @!p0 [hbm:s6], $0xF7A  }
0x23: {  	s9 =	sor.u32 $0xD0000000, s2;
	s6 =	simm.s32 $0x108;
	_ =	swait.ge @!p0 [sflag:s8], $0x0  }
0x24: {  	s3 =	sadd.s32 $0x88, s3;
	s6 =	simm.s32 @!p1 $0x1082;
	[sflag:s4] =	ssyncset.s32 $0xFFFFF086  }
0x25: {  	[simem:s6], [sflag:s4] =	dma.local [hbm:s3], $0xF7A  }
0x26: {  	[smem:$0x3F9F] =	sst s1;
	(tag) =	ssettag s2;
	_ =	strace s9  }
0x27: {  	s1 =	sld [smem:$0x3FAF]  }
0x28: {  	s2 =	sld [smem:$0x3FB0]  }
0x29: {  	s4 =	sld [smem:$0x3FB2]  }
0x2a: {  	p0 =	seq.s32 s5, $0x0;
	s5 =	sld [smem:$0x3FB3]  }
0x2b: {  	s6 =	sld [smem:$0x3FB4]  }
0x2c: {  	s7 =	sld [smem:$0x3FB5]  }
0x2d: {  	s3 =	simm.s32 $0x108;
	s8 =	sld [smem:$0x3FB6]  }
0x2e: {  	s3 =	simm.s32 @!p0 $0x1082;
	s9 =	sld [smem:$0x3FB7]  }
0x2f: {  	lr =	sadd.s32 s0, s3;
	s0 =	sld [smem:$0x3FAE]  }
0x30: {  	s3 =	sld [smem:$0x3FB1]  }
0x31: {  	[smem:$0x3FBA] =	sst s10  }
0x32: {  	s10 =	sld [smem:$0x3FB8];
	_ =	sdelay $0x3  }
0x33: {  	p0 =	seq.s32 s10, $0x1;
	s10 =	sld [smem:$0x3FBA];
	_ =	sdelay $0x3  }
0x34: {  	[smem:$0x3FBA] =	sst s10  }
0x35: {  	s10 =	sld [smem:$0x3FB9];
	_ =	sdelay $0x3  }
0x36: {  	p1 =	seq.s32 s10, $0x1;
	s10 =	sld [smem:$0x3FBA];
	_ =	sdelay $0x3  }
0x37: {  	[smem:$0x3FBA] =	sst s10  }
0x38: {  	s10 =	sld [smem:$0x3FBB]  }
0x39: {  	_ = 	snop;
	(pc) =	sbr.ind lr, $3  }
0x3a: {  	_ = 	snop  }
0x3b: {  	_ = 	snop  }
0x3c: {  	p2 =	seq.s32 s10, $0x1;
	s10 =	sld [smem:$0x3FBA]  }
0x3d: {  	_ =	shalt  }
0x3e: {  	_ =	shalt  }
0x3f: {  	_ =	shalt  }
0x40: {  	_ =	shalt  }
0x41: {  	_ =	shalt  }
0x42: {  	_ =	shalt  }
0x43: {  	_ =	shalt  }
0x44: {  	_ =	shalt  }
0x45: {  	_ =	shalt  }
0x46: {  	_ =	shalt  }
0x47: {  	_ =	shalt  }
0x48: {  	_ =	shalt  }
0x49: {  	_ =	shalt  }
0x4a: {  	_ =	shalt  }
0x4b: {  	_ =	shalt  }
0x4c: {  	_ =	shalt  }
0x4d: {  	_ =	shalt  }
0x4e: {  	_ =	shalt  }
0x4f: {  	_ =	shalt  }
0x50: {  	_ =	shalt  }
0x51: {  	_ =	shalt  }
0x52: {  	_ =	shalt  }
0x53: {  	_ =	shalt  }
0x54: {  	_ =	shalt  }
0x55: {  	_ =	shalt  }
0x56: {  	_ =	shalt  }
0x57: {  	_ =	shalt  }
0x58: {  	_ =	shalt  }
0x59: {  	_ =	shalt  }
0x5a: {  	_ =	shalt  }
0x5b: {  	_ =	shalt  }
0x5c: {  	_ =	shalt  }
0x5d: {  	_ =	shalt  }
0x5e: {  	_ =	shalt  }
0x5f: {  	_ =	shalt  }
0x60: {  	_ =	shalt  }
0x61: {  	_ =	shalt  }
0x62: {  	_ =	shalt  }
0x63: {  	_ =	shalt  }
0x64: {  	_ =	shalt  }
0x65: {  	_ =	shalt  }
0x66: {  	_ =	shalt  }
0x67: {  	_ =	shalt  }
0x68: {  	_ =	shalt  }
0x69: {  	_ =	shalt  }
0x6a: {  	_ =	shalt  }
0x6b: {  	_ =	shalt  }
0x6c: {  	_ =	shalt  }
0x6d: {  	_ =	shalt  }
0x6e: {  	_ =	shalt  }
0x6f: {  	_ =	shalt  }
0x70: {  	_ =	shalt  }
0x71: {  	_ =	shalt  }
0x72: {  	_ =	shalt  }
0x73: {  	_ =	shalt  }
0x74: {  	_ =	shalt  }
0x75: {  	_ =	shalt  }
0x76: {  	_ =	shalt  }
0x77: {  	_ =	shalt  }
0x78: {  	_ =	shalt  }
0x79: {  	_ =	shalt  }
0x7a: {  	_ =	shalt  }
0x7b: {  	_ =	shalt  }
0x7c: {  	_ =	shalt  }
0x7d: {  	_ =	shalt  }
0x7e: {  	_ =	shalt  }
0x7f: {  	_ =	shalt  }
0x80: {  	_ =	shalt  }
0x81: {  	_ =	shalt  }
0x82: {  	_ =	shalt  }
0x83: {  	_ =	shalt  }
0x84: {  	_ =	shalt  }
0x85: {  	_ =	shalt  }
0x86: {  	_ =	shalt  }
0x87: {  	_ =	shalt  }
.Lfunc_end0:
.L_simem_size_0:
called_computation_lowered:
.L_overlay_start_0:
0x88: {  	s2 =	sld [smem:$0x3FD9]  }
0x89: {  	s3 =	sld [smem:$0x3FFE];
	_ =	sdelay $0x1  }
0x8a: {  	s1 =	srdreg.scid  }
0x8b: {  	s0 =	sand.u32 $0x1, s1  }
0x8c: {  	s14 =	sshll.u32 s0, $0xA;
	s2 =	sadd.s32 s3, s2  }
0x8d: {  	s2 =	sadd.s32 s2, s14  }
0x8e: {  	[smem:$0x3FC6] =	sst s2  }
0x8f: {  	_ = 	snop  }
0x90: {  	s2 =	sld [smem:$0x3FD0];
	_ =	sdelay $0x2  }
0x91: {  	s15 =	simm.s32 $0xA;
	s4 =	simm.s32 $0x10  }
0x92: {  	[smem:s4], [sflag:s15] =	dma.local [hbm:s2], $0x1  }
0x93: {  	_ =	swait.eq [sflag:s15], $0x1  }
0x94: {  	[sflag:s15] =	ssyncset.done $0x0  }
0x95: {  	[sflag:s15] =	ssyncadd.s32 $0xFFFFFFFF  }
0x96: {  	s16 =	sld [smem:$0x13];
	(tm) =	ssettm $0x1  }
0x97: {  	s17 =	sld [smem:$0x3FFB];
	_ =	sdelay $0x3  }
0x98: {  	_ =	strace s17  }
0x99: {  	s3 =	sld [smem:$0x3FFC];
	_ =	sdelay $0x3  }
0x9a: {  	_ =	strace s3  }
0x9b: {  	s3 =	sld [smem:$0x3FFD];
	_ =	sdelay $0x3  }
0x9c: {  	_ =	strace s3  }
0x9d: {  	_ =	strace $0x8FFFFFFF  }
0x9e: {  	s18 =	sld [smem:$0x3FDB];
	_ =	sdelay $0x1  }
0x9f: {  	s19 =	simm.s32 $_scs_section_size  }
0xa0: {  	s5 =	simm.s32 $_size__tile_overlayer_lowered;
	s6 =	simm.s32 $_tile_overlayer_lowered  }
0xa1: {  	s22 =	simm.s32 $0x1BFF;
	s21 =	sshll.u32 s6, $0x1;
	s3 =	sadd.s32 s19, s18  }
0xa2: {  	s7 =	simm.s32 $0x0;
	s20 =	sshll.u32 s5, $0x1;
	s5 =	sadd.s32 s21, s3  }
0xa3: {  	[timem:s7], [sflag:s22] =	dma.local [hbm:s5], s20  }
0xa4: {  	_ =	swait.ge [sflag:s22], s20  }
0xa5: {  	s4 =	ssub.s32 $0x0, s20;
	[sflag:s22] =	ssyncset.done $0x0  }
0xa6: {  	[sflag:s22] =	ssyncadd.s32 s4;
	_ =	sdelay $0x1  }
0xa7: {  	s23 =	simm.s32 $0x1B8B  }
0xa8: {  	_ =	swait.ge [sflag:s23], $0x1  }
0xa9: {  	[sflag:s23] =	ssyncset.done $0x0  }
0xaa: {  	s25 =	simm.s32 $0x1B8E;
	s24 =	sld [smem:$0x3FFE];
	[sflag:s23] =	ssyncadd.s32 $0xFFFFFFFF  }
0xab: {  	s26 =	simm.s32 $execute0_lowered;
	[smem:$0x3FD2] =	sst s25  }
0xac: {  	s5 =	sshll.u32 s26, $0x1;
	_ =	strace $0x80000046;
	[dreg:$0x1] =	wrdreg $0xFFFFFFFF  }
0xad: {  	s28 =	simm.s32 $_size_execute0_lowered;
	s3 =	sadd.s32 s3, s5;
	[dreg:$0x0] =	wrdreg $0x0  }
0xae: {  	s5 =	sshll.u32 s28, $0x1;
	[dreg:$0x2] =	wrdreg s3  }
0xaf: {  	[dreg:$0x3] =	wrdreg s5  }
0xb0: {  	[dreg:$0x4] =	wrdreg $0xC0  }
0xb1: {  	_ =	task [dreg:s7], $0x5FFFF  }
0xb2: {  	[dreg:$0x1] =	wrdreg $0xFFFFFFFF  }
0xb3: {  	[dreg:$0x0] =	wrdreg $0x60  }
0xb4: {  	[dreg:$0x2] =	wrdreg s24  }
0xb5: {  	[dreg:$0x3] =	wrdreg s16  }
0xb6: {  	[dreg:$0x4] =	wrdreg $0x9  }
0xb7: {  	_ =	task.clear_ibuf [dreg:s7], $0x5FFFF;
	_ =	strace $0x90000046  }
0xb8: {  	s29 =	simm.s32 $0x9;
	_ =	strace $0x80000048  }
0xb9: {  	_ =	swait.ge [sflag:s29], $0x1  }
0xba: {  	[sflag:s29] =	ssyncadd.s32 $0xFFFFFFFF  }
0xbb: {  	_ =	strace $0x90000048  }
0xbc: {  	_ =	sfence  }
0xbd: {  	s30 =	sld [smem:$0x0];
	_ =	sdelay $0x2  }
0xbe: {  	s31 =	sshll.u32 s1, $0xD;
	s1 =	sshrl.u32 s1, $0x2  }
0xbf: {  	s3 =	sand.u32 $0x4000, s31;
	s1 =	sadd.s32 s1, s30  }
0xc0: {  	s0 =	sor.u32 s3, s0;
	s1 =	sshll.u32 s1, $0x11  }
0xc1: {  	s0 =	sor.u32 s1, s0  }
0xc2: {  	s0 =	sadd.s32 $0x8F2B, s0  }
0xc3: {  	[sflag:s0] =	ssyncadd.remote.s32 $0x1  }
0xc4: {  	_ =	sfence.sel $0xFFFF  }
0xc5: {  	[dreg:$0x0] =	wrdreg $0xFFFFFFFF;
	(pc) =	sbr.abs _section_cstart, $3  }
0xc6: {  	[dreg:$0x1] =	wrdreg $0xFFFFFFFF  }
0xc7: {  	_ =	task.clear_ibuf [dreg:s7], $0x2FFFF;
	_ =	strace $0x9FFFFFFF  }
0xc8: {  	(tm) =	ssettm $0x7FFFFFFF  }
0xc9: {  	_ =	shalt  }
tec
execute0_lowered:
.L_overlay_start_1:
0x0: {  	(tag) =	ssettag $0x1  }
0x1: {  	s4 =	rddreg [dreg:$0x0]  }
0x2: {  	s2 =	rddreg [dreg:$0x1]  }
0x3: {  	s0 =	rddreg [dreg:$0x2];
	s5 =	srdreg.scid  }
0x4: {  	s3 =	simm.s32 $0x0;
	s1 =	stileid.u32;
	s14 =	simm.s32 $0x1  }
0x5: {  	s15 =	simm.s32 $0x200;
	s5 =	sand.u32 $0x1, s5;
	[smem:$0x7FF] =	sst s3  }
0x6: {  	s6 =	sshll.u32 s1, $0xA;
	s7 =	sshll.u32 s5, $0x9;
	s5 =	ssub.s32 $0x2, s5  }
0x7: {  	_ =	strace $0x80000047;
	s6 =	sor.u32 s7, s6;
	s8 =	sshrl.u32 s5, $0x1  }
0x8: {  	s7 =	sshrl.u32 s6, $0x3;
	s6 =	sshll.u32 s6, $0x7;
	s13 =	ssub.s32 s5, s8  }
0x9: {  	v0 =	vlaneseq.u32;
	s7 =	sadd.s32 s7, s4;
	s12 =	sadd.s32 s6, s4;
	s13 =	smax.u32 s13, $0x1  }
0xa: {  	v0 =	vmul.u32 $0x400, v0;
	s4 =	sadd.s32 $0x400, s7;
	s5 =	sadd.s32 $0xC00, s12;
	s6 =	sadd.s32 $0x2C00, s12  }
0xb: {  	v1 =	vimm.f32 $1.000000000e+00;
	v5 =	vimm.f32 $0.0e+00;
	s7 =	sadd.s32 $0x4C00, s12;
	s8 =	sadd.s32 $0x6C00, s12;
	s9 =	sadd.s32 $0x8C00, s12  }
0xc: {  	v2 =	vor.u32 $0x4000, v0;
	v3 =	vor.u32 $0x8000, v0;
	v4 =	vor.u32 $0xC000, v0;
	s10 =	sadd.s32 $0xAC00, s12;
	s11 =	sadd.s32 $0xCC00, s12;
	s12 =	sadd.s32 $0xEC00, s12  }
.LBB2_1:
0xd: {  	[tilespmem:s3], [sflag:$0x1] =	stream.linear.gather [hbm4b:s4+s3], $0x200, $0x38;
	[tilespmem:$0x10200] =	vst v63  }
0xe: {  	_ =	swait.ge [sflag:s14], $0x200  }
0xf: {  	[sflag:s14] =	ssyncset.done $0x0  }
0x10: {  	[sflag:s14] =	ssyncadd.s32 $0xFFFFFE00  }
0x11: {  	[tilespmem:s15], [sflag:$0x1] =	stream.linear.gather [hbm4b:s2+s3], $0x10000, $0x38;
	[tilespmem:$0x10200] =	vst v63  }
0x12: {  	_ =	swait.ge [sflag:s14], $0x10000  }
0x13: {  	[sflag:s14] =	ssyncset.done $0x0  }
0x14: {  	[sflag:s14] =	ssyncadd.s32 $0xFFFF0000  }
0x15: {  	v6 =	vld [tilespmem:$0x0]  }
0x16: {  	v7 =	vld [tilespmem:$0x10]  }
0x17: {  	v8 =	vld [tilespmem:$0x20]  }
0x18: {  	v9 =	vld [tilespmem:$0x30];
	_ =	sdelay $0x1  }
0x19: {  	v6 =	vadd.s32 v0, v6  }
0x1a: {  	v7 =	vadd.s32 v2, v7  }
0x1b: {  	v8 =	vadd.s32 v3, v8  }
0x1c: {  	v9 =	vadd.s32 v4, v9;
	_ =	sdelay $0x1  }
0x1d: {  	[tilespmem:v6+s15+$0x0] =	vst.idx.msk $0xffff, v1  }
0x1e: {  	[tilespmem:v7+s15+$0x0] =	vst.idx.msk $0xffff, v1  }
0x1f: {  	[tilespmem:v8+s15+$0x0] =	vst.idx.msk $0xffff, v1  }
0x20: {  	[tilespmem:v9+s15+$0x0] =	vst.idx.msk $0xffff, v1  }
0x21: {  	[hbm4b:s5+s3] =	stream.linear.scatter [tilespmem:s15], [sflag:$0x1], $0x10000, $0x38;
	[tilespmem:$0x10200] =	vst v63  }
0x22: {  	_ =	swait.ge [sflag:s14], $0x10000  }
0x23: {  	[sflag:s14] =	ssyncset.done $0x0  }
0x24: {  	[sflag:s14] =	ssyncadd.s32 $0xFFFF0000  }
0x25: {  	v6 =	vld [tilespmem:$0x0]  }
0x26: {  	v7 =	vld [tilespmem:$0x10]  }
0x27: {  	v17 =	vld [tilespmem:$0x20]  }
0x28: {  	v18 =	vld [tilespmem:$0x30]  }
0x29: {  	v10 =	vld [tilespmem:$0x40]  }
0x2a: {  	v11 =	vld [tilespmem:$0x50];
	v6 =	vadd.s32 v0, v6  }
0x2b: {  	v12 =	vld [tilespmem:$0x60];
	v7 =	vadd.s32 v2, v7  }
0x2c: {  	v13 =	vld [tilespmem:$0x70];
	v8 =	vadd.s32 v3, v17  }
0x2d: {  	v9 =	vadd.s32 v4, v18  }
0x2e: {  	v10 =	vadd.s32 v0, v10  }
0x2f: {  	[tilespmem:v6+s15+$0x0] =	vst.idx.msk $0xffff, v5;
	v6 =	vadd.s32 v2, v11  }
0x30: {  	[tilespmem:v7+s15+$0x0] =	vst.idx.msk $0xffff, v5;
	v7 =	vadd.s32 v3, v12  }
0x31: {  	v19 =	vadd.s32 v4, v13;
	[tilespmem:v8+s15+$0x0] =	vst.idx.msk $0xffff, v5  }
0x32: {  	[tilespmem:v9+s15+$0x0] =	vst.idx.msk $0xffff, v5  }
0x33: {  	[tilespmem:v10+s15+$0x0] =	vst.idx.msk $0xffff, v1  }
0x34: {  	[tilespmem:v6+s15+$0x0] =	vst.idx.msk $0xffff, v1  }
0x35: {  	[tilespmem:v7+s15+$0x0] =	vst.idx.msk $0xffff, v1  }
0x36: {  	[tilespmem:v19+s15+$0x0] =	vst.idx.msk $0xffff, v1  }
0x37: {  	[hbm4b:s6+s3] =	stream.linear.scatter [tilespmem:s15], [sflag:$0x1], $0x10000, $0x38;
	[tilespmem:$0x10200] =	vst v63  }
0x38: {  	_ =	swait.ge [sflag:s14], $0x10000  }
0x39: {  	[sflag:s14] =	ssyncset.done $0x0  }
0x3a: {  	[sflag:s14] =	ssyncadd.s32 $0xFFFF0000  }
0x3b: {  	v6 =	vld [tilespmem:$0x40]  }
0x3c: {  	v7 =	vld [tilespmem:$0x50]  }
0x3d: {  	v20 =	vld [tilespmem:$0x60]  }
0x3e: {  	v21 =	vld [tilespmem:$0x70]  }
0x3f: {  	v22 =	vld [tilespmem:$0x80]  }
0x40: {  	v23 =	vld [tilespmem:$0x90];
	v6 =	vadd.s32 v0, v6  }
0x41: {  	v24 =	vld [tilespmem:$0xA0];
	v7 =	vadd.s32 v2, v7  }
0x42: {  	v25 =	vld [tilespmem:$0xB0];
	v8 =	vadd.s32 v3, v20  }
0x43: {  	v9 =	vadd.s32 v4, v21  }
0x44: {  	v10 =	vadd.s32 v0, v22  }
0x45: {  	[tilespmem:v6+s15+$0x0] =	vst.idx.msk $0xffff, v5;
	v6 =	vadd.s32 v2, v23  }
0x46: {  	[tilespmem:v7+s15+$0x0] =	vst.idx.msk $0xffff, v5;
	v7 =	vadd.s32 v3, v24  }
0x47: {  	v26 =	vadd.s32 v4, v25;
	[tilespmem:v8+s15+$0x0] =	vst.idx.msk $0xffff, v5  }
0x48: {  	[tilespmem:v9+s15+$0x0] =	vst.idx.msk $0xffff, v5  }
0x49: {  	[tilespmem:v10+s15+$0x0] =	vst.idx.msk $0xffff, v1  }
0x4a: {  	[tilespmem:v6+s15+$0x0] =	vst.idx.msk $0xffff, v1  }
0x4b: {  	[tilespmem:v7+s15+$0x0] =	vst.idx.msk $0xffff, v1  }
0x4c: {  	[tilespmem:v26+s15+$0x0] =	vst.idx.msk $0xffff, v1  }
0x4d: {  	[hbm4b:s7+s3] =	stream.linear.scatter [tilespmem:s15], [sflag:$0x1], $0x10000, $0x38;
	[tilespmem:$0x10200] =	vst v63  }
0x4e: {  	_ =	swait.ge [sflag:s14], $0x10000  }
0x4f: {  	[sflag:s14] =	ssyncset.done $0x0  }
0x50: {  	[sflag:s14] =	ssyncadd.s32 $0xFFFF0000  }
0x51: {  	v6 =	vld [tilespmem:$0x80]  }
0x52: {  	v7 =	vld [tilespmem:$0x90]  }
0x53: {  	v27 =	vld [tilespmem:$0xA0]  }
0x54: {  	v28 =	vld [tilespmem:$0xB0]  }
0x55: {  	v29 =	vld [tilespmem:$0xC0]  }
0x56: {  	v30 =	vld [tilespmem:$0xD0];
	v6 =	vadd.s32 v0, v6  }
0x57: {  	v31 =	vld [tilespmem:$0xE0];
	v7 =	vadd.s32 v2, v7  }
0x58: {  	v32 =	vld [tilespmem:$0xF0];
	v8 =	vadd.s32 v3, v27  }
0x59: {  	v9 =	vadd.s32 v4, v28  }
0x5a: {  	v10 =	vadd.s32 v0, v29  }
0x5b: {  	[tilespmem:v6+s15+$0x0] =	vst.idx.msk $0xffff, v5;
	v6 =	vadd.s32 v2, v30  }
0x5c: {  	[tilespmem:v7+s15+$0x0] =	vst.idx.msk $0xffff, v5;
	v7 =	vadd.s32 v3, v31  }
0x5d: {  	v33 =	vadd.s32 v4, v32;
	[tilespmem:v8+s15+$0x0] =	vst.idx.msk $0xffff, v5  }
0x5e: {  	[tilespmem:v9+s15+$0x0] =	vst.idx.msk $0xffff, v5  }
0x5f: {  	[tilespmem:v10+s15+$0x0] =	vst.idx.msk $0xffff, v1  }
0x60: {  	[tilespmem:v6+s15+$0x0] =	vst.idx.msk $0xffff, v1  }
0x61: {  	[tilespmem:v7+s15+$0x0] =	vst.idx.msk $0xffff, v1  }
0x62: {  	[tilespmem:v33+s15+$0x0] =	vst.idx.msk $0xffff, v1  }
0x63: {  	[hbm4b:s8+s3] =	stream.linear.scatter [tilespmem:s15], [sflag:$0x1], $0x10000, $0x38;
	[tilespmem:$0x10200] =	vst v63  }
0x64: {  	_ =	swait.ge [sflag:s14], $0x10000  }
0x65: {  	[sflag:s14] =	ssyncset.done $0x0  }
0x66: {  	[sflag:s14] =	ssyncadd.s32 $0xFFFF0000  }
0x67: {  	v6 =	vld [tilespmem:$0xC0]  }
0x68: {  	v7 =	vld [tilespmem:$0xD0]  }
0x69: {  	v34 =	vld [tilespmem:$0xE0]  }
0x6a: {  	v35 =	vld [tilespmem:$0xF0]  }
0x6b: {  	v36 =	vld [tilespmem:$0x100]  }
0x6c: {  	v37 =	vld [tilespmem:$0x110];
	v6 =	vadd.s32 v0, v6  }
0x6d: {  	v38 =	vld [tilespmem:$0x120];
	v7 =	vadd.s32 v2, v7  }
0x6e: {  	v39 =	vld [tilespmem:$0x130];
	v8 =	vadd.s32 v3, v34  }
0x6f: {  	v9 =	vadd.s32 v4, v35  }
0x70: {  	v10 =	vadd.s32 v0, v36  }
0x71: {  	[tilespmem:v6+s15+$0x0] =	vst.idx.msk $0xffff, v5;
	v6 =	vadd.s32 v2, v37  }
0x72: {  	[tilespmem:v7+s15+$0x0] =	vst.idx.msk $0xffff, v5;
	v7 =	vadd.s32 v3, v38  }
0x73: {  	v40 =	vadd.s32 v4, v39;
	[tilespmem:v8+s15+$0x0] =	vst.idx.msk $0xffff, v5  }
0x74: {  	[tilespmem:v9+s15+$0x0] =	vst.idx.msk $0xffff, v5  }
0x75: {  	[tilespmem:v10+s15+$0x0] =	vst.idx.msk $0xffff, v1  }
0x76: {  	[tilespmem:v6+s15+$0x0] =	vst.idx.msk $0xffff, v1  }
0x77: {  	[tilespmem:v7+s15+$0x0] =	vst.idx.msk $0xffff, v1  }
0x78: {  	[tilespmem:v40+s15+$0x0] =	vst.idx.msk $0xffff, v1  }
0x79: {  	[hbm4b:s9+s3] =	stream.linear.scatter [tilespmem:s15], [sflag:$0x1], $0x10000, $0x38;
	[tilespmem:$0x10200] =	vst v63  }
0x7a: {  	_ =	swait.ge [sflag:s14], $0x10000  }
0x7b: {  	[sflag:s14] =	ssyncset.done $0x0  }
0x7c: {  	[sflag:s14] =	ssyncadd.s32 $0xFFFF0000  }
0x7d: {  	v6 =	vld [tilespmem:$0x100]  }
0x7e: {  	v7 =	vld [tilespmem:$0x110]  }
0x7f: {  	v41 =	vld [tilespmem:$0x120]  }
0x80: {  	v42 =	vld [tilespmem:$0x130]  }
0x81: {  	v43 =	vld [tilespmem:$0x140]  }
0x82: {  	v44 =	vld [tilespmem:$0x150];
	v6 =	vadd.s32 v0, v6  }
0x83: {  	v45 =	vld [tilespmem:$0x160];
	v7 =	vadd.s32 v2, v7  }
0x84: {  	v46 =	vld [tilespmem:$0x170];
	v8 =	vadd.s32 v3, v41  }
0x85: {  	v9 =	vadd.s32 v4, v42  }
0x86: {  	v10 =	vadd.s32 v0, v43  }
0x87: {  	[tilespmem:v6+s15+$0x0] =	vst.idx.msk $0xffff, v5;
	v6 =	vadd.s32 v2, v44  }
0x88: {  	[tilespmem:v7+s15+$0x0] =	vst.idx.msk $0xffff, v5;
	v7 =	vadd.s32 v3, v45  }
0x89: {  	v47 =	vadd.s32 v4, v46;
	[tilespmem:v8+s15+$0x0] =	vst.idx.msk $0xffff, v5  }
0x8a: {  	[tilespmem:v9+s15+$0x0] =	vst.idx.msk $0xffff, v5  }
0x8b: {  	[tilespmem:v10+s15+$0x0] =	vst.idx.msk $0xffff, v1  }
0x8c: {  	[tilespmem:v6+s15+$0x0] =	vst.idx.msk $0xffff, v1  }
0x8d: {  	[tilespmem:v7+s15+$0x0] =	vst.idx.msk $0xffff, v1  }
0x8e: {  	[tilespmem:v47+s15+$0x0] =	vst.idx.msk $0xffff, v1  }
0x8f: {  	[hbm4b:s10+s3] =	stream.linear.scatter [tilespmem:s15], [sflag:$0x1], $0x10000, $0x38;
	[tilespmem:$0x10200] =	vst v63  }
0x90: {  	_ =	swait.ge [sflag:s14], $0x10000  }
0x91: {  	[sflag:s14] =	ssyncset.done $0x0  }
0x92: {  	[sflag:s14] =	ssyncadd.s32 $0xFFFF0000  }
0x93: {  	v6 =	vld [tilespmem:$0x140]  }
0x94: {  	v7 =	vld [tilespmem:$0x150]  }
0x95: {  	v48 =	vld [tilespmem:$0x160]  }
0x96: {  	v49 =	vld [tilespmem:$0x170]  }
0x97: {  	v50 =	vld [tilespmem:$0x180]  }
0x98: {  	v51 =	vld [tilespmem:$0x190];
	v6 =	vadd.s32 v0, v6  }
0x99: {  	v52 =	vld [tilespmem:$0x1A0];
	v7 =	vadd.s32 v2, v7  }
0x9a: {  	v53 =	vld [tilespmem:$0x1B0];
	v8 =	vadd.s32 v3, v48  }
0x9b: {  	v9 =	vadd.s32 v4, v49  }
0x9c: {  	v10 =	vadd.s32 v0, v50  }
0x9d: {  	[tilespmem:v6+s15+$0x0] =	vst.idx.msk $0xffff, v5;
	v6 =	vadd.s32 v2, v51  }
0x9e: {  	[tilespmem:v7+s15+$0x0] =	vst.idx.msk $0xffff, v5;
	v7 =	vadd.s32 v3, v52  }
0x9f: {  	v54 =	vadd.s32 v4, v53;
	[tilespmem:v8+s15+$0x0] =	vst.idx.msk $0xffff, v5  }
0xa0: {  	[tilespmem:v9+s15+$0x0] =	vst.idx.msk $0xffff, v5  }
0xa1: {  	[tilespmem:v10+s15+$0x0] =	vst.idx.msk $0xffff, v1  }
0xa2: {  	[tilespmem:v6+s15+$0x0] =	vst.idx.msk $0xffff, v1  }
0xa3: {  	[tilespmem:v7+s15+$0x0] =	vst.idx.msk $0xffff, v1  }
0xa4: {  	[tilespmem:v54+s15+$0x0] =	vst.idx.msk $0xffff, v1  }
0xa5: {  	[hbm4b:s11+s3] =	stream.linear.scatter [tilespmem:s15], [sflag:$0x1], $0x10000, $0x38;
	[tilespmem:$0x10200] =	vst v63  }
0xa6: {  	_ =	swait.ge [sflag:s14], $0x10000  }
0xa7: {  	[sflag:s14] =	ssyncset.done $0x0  }
0xa8: {  	[sflag:s14] =	ssyncadd.s32 $0xFFFF0000  }
0xa9: {  	v6 =	vld [tilespmem:$0x180]  }
0xaa: {  	v7 =	vld [tilespmem:$0x190]  }
0xab: {  	v55 =	vld [tilespmem:$0x1A0]  }
0xac: {  	v56 =	vld [tilespmem:$0x1B0]  }
0xad: {  	v57 =	vld [tilespmem:$0x1C0]  }
0xae: {  	v58 =	vld [tilespmem:$0x1D0];
	v6 =	vadd.s32 v0, v6  }
0xaf: {  	v59 =	vld [tilespmem:$0x1E0];
	v7 =	vadd.s32 v2, v7  }
0xb0: {  	v60 =	vld [tilespmem:$0x1F0];
	v8 =	vadd.s32 v3, v55  }
0xb1: {  	v9 =	vadd.s32 v4, v56  }
0xb2: {  	v10 =	vadd.s32 v0, v57  }
0xb3: {  	[tilespmem:v6+s15+$0x0] =	vst.idx.msk $0xffff, v5;
	v6 =	vadd.s32 v2, v58  }
0xb4: {  	[tilespmem:v7+s15+$0x0] =	vst.idx.msk $0xffff, v5;
	v7 =	vadd.s32 v3, v59  }
0xb5: {  	v61 =	vadd.s32 v4, v60;
	[tilespmem:v8+s15+$0x0] =	vst.idx.msk $0xffff, v5  }
0xb6: {  	[tilespmem:v9+s15+$0x0] =	vst.idx.msk $0xffff, v5  }
0xb7: {  	[tilespmem:v10+s15+$0x0] =	vst.idx.msk $0xffff, v1  }
0xb8: {  	[tilespmem:v6+s15+$0x0] =	vst.idx.msk $0xffff, v1  }
0xb9: {  	[tilespmem:v7+s15+$0x0] =	vst.idx.msk $0xffff, v1  }
0xba: {  	[tilespmem:v61+s15+$0x0] =	vst.idx.msk $0xffff, v1  }
0xbb: {  	[hbm4b:s12+s3] =	stream.linear.scatter [tilespmem:s15], [sflag:$0x1], $0x10000, $0x38;
	[tilespmem:$0x10200] =	vst v63  }
0xbc: {  	_ =	swait.ge [sflag:s14], $0x10000  }
0xbd: {  	[sflag:s14] =	ssyncset.done $0x0  }
0xbe: {  	[sflag:s14] =	ssyncadd.s32 $0xFFFF0000  }
0xbf: {  	v6 =	vld [tilespmem:$0x1C0]  }
0xc0: {  	v7 =	vld [tilespmem:$0x1D0]  }
0xc1: {  	v62 =	vld [tilespmem:$0x1E0]  }
0xc2: {  	v63 =	vld [tilespmem:$0x1F0];
	_ =	sdelay $0x1  }
0xc3: {  	v6 =	vadd.s32 v0, v6  }
0xc4: {  	v7 =	vadd.s32 v2, v7  }
0xc5: {  	v8 =	vadd.s32 v3, v62  }
0xc6: {  	p0 =	sne.s32 s13, $0x1;
	v9 =	vadd.s32 v4, v63  }
.Ltmp0:
0xc7: {  	_ = 	snop;
	(pc) =	sbr.rel @p0 .LBB2_1-.Ltmp0, $4  }
0xc8: {  	[tilespmem:v6+s15+$0x0] =	vst.idx.msk $0xffff, v5  }
0xc9: {  	[tilespmem:v7+s15+$0x0] =	vst.idx.msk $0xffff, v5  }
0xca: {  	[tilespmem:v8+s15+$0x0] =	vst.idx.msk $0xffff, v5  }
0xcb: {  	s13 =	sadd.s32 $0xFFFFFFFF, s13;
	[tilespmem:v9+s15+$0x0] =	vst.idx.msk $0xffff, v5  }
0xcc: {  	_ =	sfence.sel $0x180000  }
0xcd: {  	[bflag:$0x0] =	sbarrier.arrive $0xFFFF  }
0xce: {  	p0 =	sne.s32 s1, $0x0;
	_ =	strace $0x90000047  }
0xcf: {  	s0 =	sadd.s32 @!p0 $0x100000, s0;
	[bflag:$0x2] =	sbarrier.arrive $0xFFFF  }
0xd0: {  	[sflag:s0] =	ssyncadd.tile.s32 @!p0 $0x1;
	_ =	shalt  }
.Lfunc_end2:
_tile_overlayer_lowered:
.L_overlay_start_2:
0xd1: {  	(tag) =	ssettag $0x2  }
0xd2: {  	s0 =	rddreg [dreg:$0x0];
	s2 =	stileid.u32  }
0xd3: {  	s1 =	rddreg [dreg:$0x1];
	p0 =	sne.s32 s2, $0x0  }
0xd4: {  	s3 =	rddreg [dreg:$0x2];
	[bflag:$0x3] =	sbarrier.arrive $0xFFFF;
	s2 =	simm.s32 @!p0 $0x1C01  }
0xd5: {  	[timem:s3], [sflag:s2] =	dma.local @!p0 [hbm:s0], s1  }
0xd6: {  	s0 =	simm.s32 @!p0 $0x1  }
0xd7: {  	_ =	swait.ge @!p0 [sflag:s0], s1  }
0xd8: {  	s1 =	ssub.s32 @!p0 $0x0, s1;
	[sflag:s0] =	ssyncset.done @!p0 $0x0  }
0xd9: {  	[sflag:s0] =	ssyncadd.s32 @!p0 s1  }
0xda: {  	[bflag:$0x3] =	sbarrier.arrive $0xFFFF  }
0xdb: {  	_ =	shalt  }

</sc_bundles>
